<compile_context>
chip_gen: v7x
topology: tpu7x:2x2x1
jax: 0.10.2.dev20260603
libtpu: 0.0.44.dev20260713+nightly
codegen_flags: <defaults>
</compile_context>

<pallas_src>
import functools

import jax
import jax.numpy as jnp
from jax import lax
from jax.experimental import pallas as pl
from jax.experimental.pallas import tpu as pltpu
from jax.experimental.pallas import tpu_sc as plsc

_N = 8192
_M = 8192
_NW = 32
_ROWS_PER_W = _N // _NW
_CHUNK = 2
_NCH = _ROWS_PER_W // _CHUNK // 4
_RING = 4


def _sc_stream_body(w_hbm, out_hbm, b0, b1, b2, b3, s0, s1, s2, s3, stage):
    bufs = [b0, b1, b2, b3]
    sems = [s0, s1, s2, s3]
    wid = lax.axis_index("s") * 2 + lax.axis_index("c")
    base = wid * _ROWS_PER_W

    copies = [None] * _RING
    for i in range(_RING):
        c = pltpu.make_async_copy(
            w_hbm.at[pl.ds(base + i * _CHUNK, _CHUNK)], bufs[i], sems[i])
        c.start()
        copies[i] = c
    for i in range(_RING, _NCH):
        copies[i % _RING].wait()
        c = pltpu.make_async_copy(
            w_hbm.at[pl.ds(base + i * _CHUNK, _CHUNK)], bufs[i % _RING], sems[i % _RING])
        c.start()
        copies[i % _RING] = c
    for i in range(_RING):
        copies[(_NCH + i) % _RING].wait()

    stage[...] = b0[0, 0:16]
    pltpu.sync_copy(stage, out_hbm.at[pl.ds(wid * 16, 16)])


@functools.partial(
    pl.kernel,
    out_type=jax.ShapeDtypeStruct((_NW * 16,), jnp.float32),
    mesh=plsc.VectorSubcoreMesh(core_axis_name="c", subcore_axis_name="s"),
    scratch_types=(
        [pltpu.VMEM((_CHUNK, _M), jnp.float32) for _ in range(_RING)]
        + [pltpu.SemaphoreType.DMA for _ in range(_RING)]
        + [pltpu.VMEM((16,), jnp.float32)]
    ),
)
def _sc_stream(w_hbm, out_hbm, b0, b1, b2, b3, s0, s1, s2, s3, stage):
    _sc_stream_body(w_hbm, out_hbm, b0, b1, b2, b3, s0, s1, s2, s3, stage)


def _tc_stream_kernel(a_ref, out_ref):
    out_ref[...] = a_ref[:, 0:1]


def _tc_stream(mat):
    return pl.pallas_call(
        _tc_stream_kernel,
        grid=(16,),
        in_specs=[pl.BlockSpec((512, _M), lambda k: (k, 0))],
        out_specs=pl.BlockSpec((512, 1), lambda k: (k, 0)),
        out_shape=jax.ShapeDtypeStruct((_M, 1), jnp.float32),
    )(mat)


def kernel(input, data_lengths, weight, lin_weight, lin_bias):
    probe = _sc_stream(weight)
    tc = _tc_stream(lin_weight)
    anchor = jnp.sum(probe) * 0.0
    return tc + anchor, data_lengths

# --- scband reference (transcript-rebuilt; emitter-appended) ---
"""Pipeline reference for scband-my-module-61838939127969 (READ-ONLY COPY).

The authoritative reference and input builder live on the scoring server;
editing this copy changes nothing except your own understanding.
"""

import jax, jax.numpy as jnp
import numpy as np

N = 8192
M = 8192
B = 8192
T = 1


def setup_inputs(seed: int = 0) -> dict:
    key = jax.random.key(seed)
    k1, k2, k3, k4 = jax.random.split(key, 4)
    inp = {}
    inp['input'] = jax.random.normal(k1, (B, T), dtype=jnp.float32)
    inp['data_lengths'] = jnp.ones((B,), dtype=jnp.int32)
    # learned parameters
    inp['weight'] = jax.random.uniform(k2, (N, M), dtype=jnp.float32)  # torch.rand(N, M)
    bound = 1.0 / np.sqrt(N)
    inp['lin_weight'] = jax.random.uniform(k3, (M, N), dtype=jnp.float32, minval=-bound, maxval=bound)
    inp['lin_bias'] = jax.random.uniform(k4, (M,), dtype=jnp.float32, minval=-bound, maxval=bound)
    return inp


def reference(input, data_lengths, weight, lin_weight, lin_bias):
    # --- pack_padded_sequence(batch_first=True, enforce_sorted=False) ---
    Bn, Tn = input.shape
    sorted_indices = jnp.argsort(-data_lengths, stable=True)  # sort lengths descending, stable
    max_len = Tn  # data_lengths is always all-ones with Tn == 1
    sorted_input = jnp.take(input, sorted_indices, axis=0)
    batch_sizes = [Bn for t in range(max_len)]  # all lengths equal, every step is full batch
    pieces = [sorted_input[:bs, t] for t, bs in enumerate(batch_sizes)]
    data = jnp.concatenate(pieces, axis=0)  # packed data, shape [sum(lengths)] == [M]

    # --- weight.mv(data) ---
    out = weight @ data  # [N]
    # --- Linear(N, M) ---
    out = lin_weight @ out + lin_bias  # [M]

    # --- pad_packed_sequence(batch_first=True, padding_value=-1.0) ---
    padded_sorted = jnp.full((Bn, max_len), -1.0, dtype=out.dtype)
    offset = 0
    for t, bs in enumerate(batch_sizes):
        padded_sorted = padded_sorted.at[:bs, t].set(out[offset:offset + bs])
        offset += bs
    unsorted_indices = jnp.argsort(sorted_indices, stable=True)
    padded = jnp.take(padded_sorted, unsorted_indices, axis=0)
    out_lengths = data_lengths  # original-order lengths
    return padded, out_lengths

if __name__ == "__main__":
    import jax
    _d = setup_inputs()
    print(jax.jit(kernel)(*tuple(_d.values())))

</pallas_src>

<mosaic_0001>
#map = affine_map<(d0, d1) -> (0, 0)>
#map1 = affine_map<(d0, d1) -> (0)>
module attributes {stable_mosaic.version = 14 : i64} {
  func.func @_sc_stream(%arg0: i32, %arg1: i32, %arg2: memref<8192x8192xf32, #tpu.memory_space<hbm>>, %arg3: memref<512xf32, #tpu.memory_space<hbm>>, %arg4: memref<2x8192xf32, #tpu.memory_space<vmem>>, %arg5: memref<2x8192xf32, #tpu.memory_space<vmem>>, %arg6: memref<2x8192xf32, #tpu.memory_space<vmem>>, %arg7: memref<2x8192xf32, #tpu.memory_space<vmem>>, %arg8: memref<!tpu.dma_semaphore, #tpu.memory_space<semaphore_mem>>, %arg9: memref<!tpu.dma_semaphore, #tpu.memory_space<semaphore_mem>>, %arg10: memref<!tpu.dma_semaphore, #tpu.memory_space<semaphore_mem>>, %arg11: memref<!tpu.dma_semaphore, #tpu.memory_space<semaphore_mem>>, %arg12: memref<16xf32, #tpu.memory_space<vmem>>) attributes {dimension_semantics = [#tpu.dimension_semantics<core_parallel>, #tpu.dimension_semantics<subcore_parallel>], iteration_bounds = array<i64: 2, 16>, scalar_prefetch = 0 : i64, scratch_operands = 9 : i64, tpu.core_type = #tpu.core_type<sc_vector_subcore>, window_params = [{transform_indices = #map}, {transform_indices = #map1}]} {
    %mul3A = arith.constant 2 : i32
    %mul3A_0 = arith.muli %arg1, %mul3A : i32
    %add3A = arith.addi %mul3A_0, %arg0 : i32
    %mul3A_1 = arith.constant 256 : i32
    %mul3A_2 = arith.muli %add3A, %mul3A_1 : i32
    %add3A_3 = arith.constant 0 : i32
    %add3A_4 = arith.addi %mul3A_2, %add3A_3 : i32
    %dma_start3A = arith.constant 0 : i32
    %dma_start3A_5 = tpu.memref_slice %arg2[%add3A_4, %dma_start3A] : memref<8192x8192xf32, #tpu.memory_space<hbm>> -> memref<2x8192xf32, #tpu.memory_space<hbm>>
    %dma_start3A_6 = arith.constant 0 : i32
    %dma_start3A_7 = tpu.memref_slice %arg2[%add3A_4, %dma_start3A_6] : memref<8192x8192xf32, #tpu.memory_space<hbm>> -> memref<2x8192xf32, #tpu.memory_space<hbm>>
    tpu.enqueue_dma source(%dma_start3A_7 : memref<2x8192xf32, #tpu.memory_space<hbm>>) target(%arg4 : memref<2x8192xf32, #tpu.memory_space<vmem>>) target_semaphore(%arg8 : memref<!tpu.dma_semaphore, #tpu.memory_space<semaphore_mem>>)
    %add3A_8 = arith.constant 2 : i32
    %add3A_9 = arith.addi %mul3A_2, %add3A_8 : i32
    %dma_start3A_10 = arith.constant 0 : i32
    %dma_start3A_11 = tpu.memref_slice %arg2[%add3A_9, %dma_start3A_10] : memref<8192x8192xf32, #tpu.memory_space<hbm>> -> memref<2x8192xf32, #tpu.memory_space<hbm>>
    %dma_start3A_12 = arith.constant 0 : i32
    %dma_start3A_13 = tpu.memref_slice %arg2[%add3A_9, %dma_start3A_12] : memref<8192x8192xf32, #tpu.memory_space<hbm>> -> memref<2x8192xf32, #tpu.memory_space<hbm>>
    tpu.enqueue_dma source(%dma_start3A_13 : memref<2x8192xf32, #tpu.memory_space<hbm>>) target(%arg5 : memref<2x8192xf32, #tpu.memory_space<vmem>>) target_semaphore(%arg9 : memref<!tpu.dma_semaphore, #tpu.memory_space<semaphore_mem>>)
    %add3A_14 = arith.constant 4 : i32
    %add3A_15 = arith.addi %mul3A_2, %add3A_14 : i32
    %dma_start3A_16 = arith.constant 0 : i32
    %dma_start3A_17 = tpu.memref_slice %arg2[%add3A_15, %dma_start3A_16] : memref<8192x8192xf32, #tpu.memory_space<hbm>> -> memref<2x8192xf32, #tpu.memory_space<hbm>>
    %dma_start3A_18 = arith.constant 0 : i32
    %dma_start3A_19 = tpu.memref_slice %arg2[%add3A_15, %dma_start3A_18] : memref<8192x8192xf32, #tpu.memory_space<hbm>> -> memref<2x8192xf32, #tpu.memory_space<hbm>>
    tpu.enqueue_dma source(%dma_start3A_19 : memref<2x8192xf32, #tpu.memory_space<hbm>>) target(%arg6 : memref<2x8192xf32, #tpu.memory_space<vmem>>) target_semaphore(%arg10 : memref<!tpu.dma_semaphore, #tpu.memory_space<semaphore_mem>>)
    %add3A_20 = arith.constant 6 : i32
    %add3A_21 = arith.addi %mul3A_2, %add3A_20 : i32
    %dma_start3A_22 = arith.constant 0 : i32
    %dma_start3A_23 = tpu.memref_slice %arg2[%add3A_21, %dma_start3A_22] : memref<8192x8192xf32, #tpu.memory_space<hbm>> -> memref<2x8192xf32, #tpu.memory_space<hbm>>
    %dma_start3A_24 = arith.constant 0 : i32
    %dma_start3A_25 = tpu.memref_slice %arg2[%add3A_21, %dma_start3A_24] : memref<8192x8192xf32, #tpu.memory_space<hbm>> -> memref<2x8192xf32, #tpu.memory_space<hbm>>
    tpu.enqueue_dma source(%dma_start3A_25 : memref<2x8192xf32, #tpu.memory_space<hbm>>) target(%arg7 : memref<2x8192xf32, #tpu.memory_space<vmem>>) target_semaphore(%arg11 : memref<!tpu.dma_semaphore, #tpu.memory_space<semaphore_mem>>)
    %dma_wait3A = arith.constant 0 : i32
    %dma_wait3A_26 = tpu.memref_slice %arg2[%add3A_4, %dma_wait3A] : memref<8192x8192xf32, #tpu.memory_space<hbm>> -> memref<2x8192xf32, #tpu.memory_space<hbm>>
    %dma_wait3A_27 = arith.constant 0 : i32
    %dma_wait3A_28 = tpu.memref_slice %arg2[%add3A_4, %dma_wait3A_27] : memref<8192x8192xf32, #tpu.memory_space<hbm>> -> memref<2x8192xf32, #tpu.memory_space<hbm>>
    tpu.wait_dma2 semaphore(%arg8 : memref<!tpu.dma_semaphore, #tpu.memory_space<semaphore_mem>>) src(%dma_wait3A_28 : memref<2x8192xf32, #tpu.memory_space<hbm>>) dst(%arg4 : memref<2x8192xf32, #tpu.memory_space<vmem>>)
    %add3A_29 = arith.constant 8 : i32
    %add3A_30 = arith.addi %mul3A_2, %add3A_29 : i32
    %dma_start3A_31 = arith.constant 0 : i32
    %dma_start3A_32 = tpu.memref_slice %arg2[%add3A_30, %dma_start3A_31] : memref<8192x8192xf32, #tpu.memory_space<hbm>> -> memref<2x8192xf32, #tpu.memory_space<hbm>>
    %dma_start3A_33 = arith.constant 0 : i32
    %dma_start3A_34 = tpu.memref_slice %arg2[%add3A_30, %dma_start3A_33] : memref<8192x8192xf32, #tpu.memory_space<hbm>> -> memref<2x8192xf32, #tpu.memory_space<hbm>>
    tpu.enqueue_dma source(%dma_start3A_34 : memref<2x8192xf32, #tpu.memory_space<hbm>>) target(%arg4 : memref<2x8192xf32, #tpu.memory_space<vmem>>) target_semaphore(%arg8 : memref<!tpu.dma_semaphore, #tpu.memory_space<semaphore_mem>>)
    %dma_wait3A_35 = arith.constant 0 : i32
    %dma_wait3A_36 = tpu.memref_slice %arg2[%add3A_9, %dma_wait3A_35] : memref<8192x8192xf32, #tpu.memory_space<hbm>> -> memref<2x8192xf32, #tpu.memory_space<hbm>>
    %dma_wait3A_37 = arith.constant 0 : i32
    %dma_wait3A_38 = tpu.memref_slice %arg2[%add3A_9, %dma_wait3A_37] : memref<8192x8192xf32, #tpu.memory_space<hbm>> -> memref<2x8192xf32, #tpu.memory_space<hbm>>
    tpu.wait_dma2 semaphore(%arg9 : memref<!tpu.dma_semaphore, #tpu.memory_space<semaphore_mem>>) src(%dma_wait3A_38 : memref<2x8192xf32, #tpu.memory_space<hbm>>) dst(%arg5 : memref<2x8192xf32, #tpu.memory_space<vmem>>)
    %add3A_39 = arith.constant 10 : i32
    %add3A_40 = arith.addi %mul3A_2, %add3A_39 : i32
    %dma_start3A_41 = arith.constant 0 : i32
    %dma_start3A_42 = tpu.memref_slice %arg2[%add3A_40, %dma_start3A_41] : memref<8192x8192xf32, #tpu.memory_space<hbm>> -> memref<2x8192xf32, #tpu.memory_space<hbm>>
    %dma_start3A_43 = arith.constant 0 : i32
    %dma_start3A_44 = tpu.memref_slice %arg2[%add3A_40, %dma_start3A_43] : memref<8192x8192xf32, #tpu.memory_space<hbm>> -> memref<2x8192xf32, #tpu.memory_space<hbm>>
    tpu.enqueue_dma source(%dma_start3A_44 : memref<2x8192xf32, #tpu.memory_space<hbm>>) target(%arg5 : memref<2x8192xf32, #tpu.memory_space<vmem>>) target_semaphore(%arg9 : memref<!tpu.dma_semaphore, #tpu.memory_space<semaphore_mem>>)
    %dma_wait3A_45 = arith.constant 0 : i32
    %dma_wait3A_46 = tpu.memref_slice %arg2[%add3A_15, %dma_wait3A_45] : memref<8192x8192xf32, #tpu.memory_space<hbm>> -> memref<2x8192xf32, #tpu.memory_space<hbm>>
    %dma_wait3A_47 = arith.constant 0 : i32
    %dma_wait3A_48 = tpu.memref_slice %arg2[%add3A_15, %dma_wait3A_47] : memref<8192x8192xf32, #tpu.memory_space<hbm>> -> memref<2x8192xf32, #tpu.memory_space<hbm>>
    tpu.wait_dma2 semaphore(%arg10 : memref<!tpu.dma_semaphore, #tpu.memory_space<semaphore_mem>>) src(%dma_wait3A_48 : memref<2x8192xf32, #tpu.memory_space<hbm>>) dst(%arg6 : memref<2x8192xf32, #tpu.memory_space<vmem>>)
    %add3A_49 = arith.constant 12 : i32
    %add3A_50 = arith.addi %mul3A_2, %add3A_49 : i32
    %dma_start3A_51 = arith.constant 0 : i32
    %dma_start3A_52 = tpu.memref_slice %arg2[%add3A_50, %dma_start3A_51] : memref<8192x8192xf32, #tpu.memory_space<hbm>> -> memref<2x8192xf32, #tpu.memory_space<hbm>>
    %dma_start3A_53 = arith.constant 0 : i32
    %dma_start3A_54 = tpu.memref_slice %arg2[%add3A_50, %dma_start3A_53] : memref<8192x8192xf32, #tpu.memory_space<hbm>> -> memref<2x8192xf32, #tpu.memory_space<hbm>>
    tpu.enqueue_dma source(%dma_start3A_54 : memref<2x8192xf32, #tpu.memory_space<hbm>>) target(%arg6 : memref<2x8192xf32, #tpu.memory_space<vmem>>) target_semaphore(%arg10 : memref<!tpu.dma_semaphore, #tpu.memory_space<semaphore_mem>>)
    %dma_wait3A_55 = arith.constant 0 : i32
    %dma_wait3A_56 = tpu.memref_slice %arg2[%add3A_21, %dma_wait3A_55] : memref<8192x8192xf32, #tpu.memory_space<hbm>> -> memref<2x8192xf32, #tpu.memory_space<hbm>>
    %dma_wait3A_57 = arith.constant 0 : i32
    %dma_wait3A_58 = tpu.memref_slice %arg2[%add3A_21, %dma_wait3A_57] : memref<8192x8192xf32, #tpu.memory_space<hbm>> -> memref<2x8192xf32, #tpu.memory_space<hbm>>
    tpu.wait_dma2 semaphore(%arg11 : memref<!tpu.dma_semaphore, #tpu.memory_space<semaphore_mem>>) src(%dma_wait3A_58 : memref<2x8192xf32, #tpu.memory_space<hbm>>) dst(%arg7 : memref<2x8192xf32, #tpu.memory_space<vmem>>)
    %add3A_59 = arith.constant 14 : i32
    %add3A_60 = arith.addi %mul3A_2, %add3A_59 : i32
    %dma_start3A_61 = arith.constant 0 : i32
    %dma_start3A_62 = tpu.memref_slice %arg2[%add3A_60, %dma_start3A_61] : memref<8192x8192xf32, #tpu.memory_space<hbm>> -> memref<2x8192xf32, #tpu.memory_space<hbm>>
    %dma_start3A_63 = arith.constant 0 : i32
    %dma_start3A_64 = tpu.memref_slice %arg2[%add3A_60, %dma_start3A_63] : memref<8192x8192xf32, #tpu.memory_space<hbm>> -> memref<2x8192xf32, #tpu.memory_space<hbm>>
    tpu.enqueue_dma source(%dma_start3A_64 : memref<2x8192xf32, #tpu.memory_space<hbm>>) target(%arg7 : memref<2x8192xf32, #tpu.memory_space<vmem>>) target_semaphore(%arg11 : memref<!tpu.dma_semaphore, #tpu.memory_space<semaphore_mem>>)
    %dma_wait3A_65 = arith.constant 0 : i32
    %dma_wait3A_66 = tpu.memref_slice %arg2[%add3A_30, %dma_wait3A_65] : memref<8192x8192xf32, #tpu.memory_space<hbm>> -> memref<2x8192xf32, #tpu.memory_space<hbm>>
    %dma_wait3A_67 = arith.constant 0 : i32
    %dma_wait3A_68 = tpu.memref_slice %arg2[%add3A_30, %dma_wait3A_67] : memref<8192x8192xf32, #tpu.memory_space<hbm>> -> memref<2x8192xf32, #tpu.memory_space<hbm>>
    tpu.wait_dma2 semaphore(%arg8 : memref<!tpu.dma_semaphore, #tpu.memory_space<semaphore_mem>>) src(%dma_wait3A_68 : memref<2x8192xf32, #tpu.memory_space<hbm>>) dst(%arg4 : memref<2x8192xf32, #tpu.memory_space<vmem>>)
    %add3A_69 = arith.constant 16 : i32
    %add3A_70 = arith.addi %mul3A_2, %add3A_69 : i32
    %dma_start3A_71 = arith.constant 0 : i32
    %dma_start3A_72 = tpu.memref_slice %arg2[%add3A_70, %dma_start3A_71] : memref<8192x8192xf32, #tpu.memory_space<hbm>> -> memref<2x8192xf32, #tpu.memory_space<hbm>>
    %dma_start3A_73 = arith.constant 0 : i32
    %dma_start3A_74 = tpu.memref_slice %arg2[%add3A_70, %dma_start3A_73] : memref<8192x8192xf32, #tpu.memory_space<hbm>> -> memref<2x8192xf32, #tpu.memory_space<hbm>>
    tpu.enqueue_dma source(%dma_start3A_74 : memref<2x8192xf32, #tpu.memory_space<hbm>>) target(%arg4 : memref<2x8192xf32, #tpu.memory_space<vmem>>) target_semaphore(%arg8 : memref<!tpu.dma_semaphore, #tpu.memory_space<semaphore_mem>>)
    %dma_wait3A_75 = arith.constant 0 : i32
    %dma_wait3A_76 = tpu.memref_slice %arg2[%add3A_40, %dma_wait3A_75] : memref<8192x8192xf32, #tpu.memory_space<hbm>> -> memref<2x8192xf32, #tpu.memory_space<hbm>>
    %dma_wait3A_77 = arith.constant 0 : i32
    %dma_wait3A_78 = tpu.memref_slice %arg2[%add3A_40, %dma_wait3A_77] : memref<8192x8192xf32, #tpu.memory_space<hbm>> -> memref<2x8192xf32, #tpu.memory_space<hbm>>
    tpu.wait_dma2 semaphore(%arg9 : memref<!tpu.dma_semaphore, #tpu.memory_space<semaphore_mem>>) src(%dma_wait3A_78 : memref<2x8192xf32, #tpu.memory_space<hbm>>) dst(%arg5 : memref<2x8192xf32, #tpu.memory_space<vmem>>)
    %add3A_79 = arith.constant 18 : i32
    %add3A_80 = arith.addi %mul3A_2, %add3A_79 : i32
    %dma_start3A_81 = arith.constant 0 : i32
    %dma_start3A_82 = tpu.memref_slice %arg2[%add3A_80, %dma_start3A_81] : memref<8192x8192xf32, #tpu.memory_space<hbm>> -> memref<2x8192xf32, #tpu.memory_space<hbm>>
    %dma_start3A_83 = arith.constant 0 : i32
    %dma_start3A_84 = tpu.memref_slice %arg2[%add3A_80, %dma_start3A_83] : memref<8192x8192xf32, #tpu.memory_space<hbm>> -> memref<2x8192xf32, #tpu.memory_space<hbm>>
    tpu.enqueue_dma source(%dma_start3A_84 : memref<2x8192xf32, #tpu.memory_space<hbm>>) target(%arg5 : memref<2x8192xf32, #tpu.memory_space<vmem>>) target_semaphore(%arg9 : memref<!tpu.dma_semaphore, #tpu.memory_space<semaphore_mem>>)
    %dma_wait3A_85 = arith.constant 0 : i32
    %dma_wait3A_86 = tpu.memref_slice %arg2[%add3A_50, %dma_wait3A_85] : memref<8192x8192xf32, #tpu.memory_space<hbm>> -> memref<2x8192xf32, #tpu.memory_space<hbm>>
    %dma_wait3A_87 = arith.constant 0 : i32
    %dma_wait3A_88 = tpu.memref_slice %arg2[%add3A_50, %dma_wait3A_87] : memref<8192x8192xf32, #tpu.memory_space<hbm>> -> memref<2x8192xf32, #tpu.memory_space<hbm>>
    tpu.wait_dma2 semaphore(%arg10 : memref<!tpu.dma_semaphore, #tpu.memory_space<semaphore_mem>>) src(%dma_wait3A_88 : memref<2x8192xf32, #tpu.memory_space<hbm>>) dst(%arg6 : memref<2x8192xf32, #tpu.memory_space<vmem>>)
    %add3A_89 = arith.constant 20 : i32
    %add3A_90 = arith.addi %mul3A_2, %add3A_89 : i32
    %dma_start3A_91 = arith.constant 0 : i32
    %dma_start3A_92 = tpu.memref_slice %arg2[%add3A_90, %dma_start3A_91] : memref<8192x8192xf32, #tpu.memory_space<hbm>> -> memref<2x8192xf32, #tpu.memory_space<hbm>>
    %dma_start3A_93 = arith.constant 0 : i32
    %dma_start3A_94 = tpu.memref_slice %arg2[%add3A_90, %dma_start3A_93] : memref<8192x8192xf32, #tpu.memory_space<hbm>> -> memref<2x8192xf32, #tpu.memory_space<hbm>>
    tpu.enqueue_dma source(%dma_start3A_94 : memref<2x8192xf32, #tpu.memory_space<hbm>>) target(%arg6 : memref<2x8192xf32, #tpu.memory_space<vmem>>) target_semaphore(%arg10 : memref<!tpu.dma_semaphore, #tpu.memory_space<semaphore_mem>>)
    %dma_wait3A_95 = arith.constant 0 : i32
    %dma_wait3A_96 = tpu.memref_slice %arg2[%add3A_60, %dma_wait3A_95] : memref<8192x8192xf32, #tpu.memory_space<hbm>> -> memref<2x8192xf32, #tpu.memory_space<hbm>>
    %dma_wait3A_97 = arith.constant 0 : i32
    %dma_wait3A_98 = tpu.memref_slice %arg2[%add3A_60, %dma_wait3A_97] : memref<8192x8192xf32, #tpu.memory_space<hbm>> -> memref<2x8192xf32, #tpu.memory_space<hbm>>
    tpu.wait_dma2 semaphore(%arg11 : memref<!tpu.dma_semaphore, #tpu.memory_space<semaphore_mem>>) src(%dma_wait3A_98 : memref<2x8192xf32, #tpu.memory_space<hbm>>) dst(%arg7 : memref<2x8192xf32, #tpu.memory_space<vmem>>)
    %add3A_99 = arith.constant 22 : i32
    %add3A_100 = arith.addi %mul3A_2, %add3A_99 : i32
    %dma_start3A_101 = arith.constant 0 : i32
    %dma_start3A_102 = tpu.memref_slice %arg2[%add3A_100, %dma_start3A_101] : memref<8192x8192xf32, #tpu.memory_space<hbm>> -> memref<2x8192xf32, #tpu.memory_space<hbm>>
    %dma_start3A_103 = arith.constant 0 : i32
    %dma_start3A_104 = tpu.memref_slice %arg2[%add3A_100, %dma_start3A_103] : memref<8192x8192xf32, #tpu.memory_space<hbm>> -> memref<2x8192xf32, #tpu.memory_space<hbm>>
    tpu.enqueue_dma source(%dma_start3A_104 : memref<2x8192xf32, #tpu.memory_space<hbm>>) target(%arg7 : memref<2x8192xf32, #tpu.memory_space<vmem>>) target_semaphore(%arg11 : memref<!tpu.dma_semaphore, #tpu.memory_space<semaphore_mem>>)
    %dma_wait3A_105 = arith.constant 0 : i32
    %dma_wait3A_106 = tpu.memref_slice %arg2[%add3A_70, %dma_wait3A_105] : memref<8192x8192xf32, #tpu.memory_space<hbm>> -> memref<2x8192xf32, #tpu.memory_space<hbm>>
    %dma_wait3A_107 = arith.constant 0 : i32
    %dma_wait3A_108 = tpu.memref_slice %arg2[%add3A_70, %dma_wait3A_107] : memref<8192x8192xf32, #tpu.memory_space<hbm>> -> memref<2x8192xf32, #tpu.memory_space<hbm>>
    tpu.wait_dma2 semaphore(%arg8 : memref<!tpu.dma_semaphore, #tpu.memory_space<semaphore_mem>>) src(%dma_wait3A_108 : memref<2x8192xf32, #tpu.memory_space<hbm>>) dst(%arg4 : memref<2x8192xf32, #tpu.memory_space<vmem>>)
    %add3A_109 = arith.constant 24 : i32
    %add3A_110 = arith.addi %mul3A_2, %add3A_109 : i32
    %dma_start3A_111 = arith.constant 0 : i32
    %dma_start3A_112 = tpu.memref_slice %arg2[%add3A_110, %dma_start3A_111] : memref<8192x8192xf32, #tpu.memory_space<hbm>> -> memref<2x8192xf32, #tpu.memory_space<hbm>>
    %dma_start3A_113 = arith.constant 0 : i32
    %dma_start3A_114 = tpu.memref_slice %arg2[%add3A_110, %dma_start3A_113] : memref<8192x8192xf32, #tpu.memory_space<hbm>> -> memref<2x8192xf32, #tpu.memory_space<hbm>>
    tpu.enqueue_dma source(%dma_start3A_114 : memref<2x8192xf32, #tpu.memory_space<hbm>>) target(%arg4 : memref<2x8192xf32, #tpu.memory_space<vmem>>) target_semaphore(%arg8 : memref<!tpu.dma_semaphore, #tpu.memory_space<semaphore_mem>>)
    %dma_wait3A_115 = arith.constant 0 : i32
    %dma_wait3A_116 = tpu.memref_slice %arg2[%add3A_80, %dma_wait3A_115] : memref<8192x8192xf32, #tpu.memory_space<hbm>> -> memref<2x8192xf32, #tpu.memory_space<hbm>>
    %dma_wait3A_117 = arith.constant 0 : i32
    %dma_wait3A_118 = tpu.memref_slice %arg2[%add3A_80, %dma_wait3A_117] : memref<8192x8192xf32, #tpu.memory_space<hbm>> -> memref<2x8192xf32, #tpu.memory_space<hbm>>
    tpu.wait_dma2 semaphore(%arg9 : memref<!tpu.dma_semaphore, #tpu.memory_space<semaphore_mem>>) src(%dma_wait3A_118 : memref<2x8192xf32, #tpu.memory_space<hbm>>) dst(%arg5 : memref<2x8192xf32, #tpu.memory_space<vmem>>)
    %add3A_119 = arith.constant 26 : i32
    %add3A_120 = arith.addi %mul3A_2, %add3A_119 : i32
    %dma_start3A_121 = arith.constant 0 : i32
    %dma_start3A_122 = tpu.memref_slice %arg2[%add3A_120, %dma_start3A_121] : memref<8192x8192xf32, #tpu.memory_space<hbm>> -> memref<2x8192xf32, #tpu.memory_space<hbm>>
    %dma_start3A_123 = arith.constant 0 : i32
    %dma_start3A_124 = tpu.memref_slice %arg2[%add3A_120, %dma_start3A_123] : memref<8192x8192xf32, #tpu.memory_space<hbm>> -> memref<2x8192xf32, #tpu.memory_space<hbm>>
    tpu.enqueue_dma source(%dma_start3A_124 : memref<2x8192xf32, #tpu.memory_space<hbm>>) target(%arg5 : memref<2x8192xf32, #tpu.memory_space<vmem>>) target_semaphore(%arg9 : memref<!tpu.dma_semaphore, #tpu.memory_space<semaphore_mem>>)
    %dma_wait3A_125 = arith.constant 0 : i32
    %dma_wait3A_126 = tpu.memref_slice %arg2[%add3A_90, %dma_wait3A_125] : memref<8192x8192xf32, #tpu.memory_space<hbm>> -> memref<2x8192xf32, #tpu.memory_space<hbm>>
    %dma_wait3A_127 = arith.constant 0 : i32
    %dma_wait3A_128 = tpu.memref_slice %arg2[%add3A_90, %dma_wait3A_127] : memref<8192x8192xf32, #tpu.memory_space<hbm>> -> memref<2x8192xf32, #tpu.memory_space<hbm>>
    tpu.wait_dma2 semaphore(%arg10 : memref<!tpu.dma_semaphore, #tpu.memory_space<semaphore_mem>>) src(%dma_wait3A_128 : memref<2x8192xf32, #tpu.memory_space<hbm>>) dst(%arg6 : memref<2x8192xf32, #tpu.memory_space<vmem>>)
    %add3A_129 = arith.constant 28 : i32
    %add3A_130 = arith.addi %mul3A_2, %add3A_129 : i32
    %dma_start3A_131 = arith.constant 0 : i32
    %dma_start3A_132 = tpu.memref_slice %arg2[%add3A_130, %dma_start3A_131] : memref<8192x8192xf32, #tpu.memory_space<hbm>> -> memref<2x8192xf32, #tpu.memory_space<hbm>>
    %dma_start3A_133 = arith.constant 0 : i32
    %dma_start3A_134 = tpu.memref_slice %arg2[%add3A_130, %dma_start3A_133] : memref<8192x8192xf32, #tpu.memory_space<hbm>> -> memref<2x8192xf32, #tpu.memory_space<hbm>>
    tpu.enqueue_dma source(%dma_start3A_134 : memref<2x8192xf32, #tpu.memory_space<hbm>>) target(%arg6 : memref<2x8192xf32, #tpu.memory_space<vmem>>) target_semaphore(%arg10 : memref<!tpu.dma_semaphore, #tpu.memory_space<semaphore_mem>>)
    %dma_wait3A_135 = arith.constant 0 : i32
    %dma_wait3A_136 = tpu.memref_slice %arg2[%add3A_100, %dma_wait3A_135] : memref<8192x8192xf32, #tpu.memory_space<hbm>> -> memref<2x8192xf32, #tpu.memory_space<hbm>>
    %dma_wait3A_137 = arith.constant 0 : i32
    %dma_wait3A_138 = tpu.memref_slice %arg2[%add3A_100, %dma_wait3A_137] : memref<8192x8192xf32, #tpu.memory_space<hbm>> -> memref<2x8192xf32, #tpu.memory_space<hbm>>
    tpu.wait_dma2 semaphore(%arg11 : memref<!tpu.dma_semaphore, #tpu.memory_space<semaphore_mem>>) src(%dma_wait3A_138 : memref<2x8192xf32, #tpu.memory_space<hbm>>) dst(%arg7 : memref<2x8192xf32, #tpu.memory_space<vmem>>)
    %add3A_139 = arith.constant 30 : i32
    %add3A_140 = arith.addi %mul3A_2, %add3A_139 : i32
    %dma_start3A_141 = arith.constant 0 : i32
    %dma_start3A_142 = tpu.memref_slice %arg2[%add3A_140, %dma_start3A_141] : memref<8192x8192xf32, #tpu.memory_space<hbm>> -> memref<2x8192xf32, #tpu.memory_space<hbm>>
    %dma_start3A_143 = arith.constant 0 : i32
    %dma_start3A_144 = tpu.memref_slice %arg2[%add3A_140, %dma_start3A_143] : memref<8192x8192xf32, #tpu.memory_space<hbm>> -> memref<2x8192xf32, #tpu.memory_space<hbm>>
    tpu.enqueue_dma source(%dma_start3A_144 : memref<2x8192xf32, #tpu.memory_space<hbm>>) target(%arg7 : memref<2x8192xf32, #tpu.memory_space<vmem>>) target_semaphore(%arg11 : memref<!tpu.dma_semaphore, #tpu.memory_space<semaphore_mem>>)
    %dma_wait3A_145 = arith.constant 0 : i32
    %dma_wait3A_146 = tpu.memref_slice %arg2[%add3A_110, %dma_wait3A_145] : memref<8192x8192xf32, #tpu.memory_space<hbm>> -> memref<2x8192xf32, #tpu.memory_space<hbm>>
    %dma_wait3A_147 = arith.constant 0 : i32
    %dma_wait3A_148 = tpu.memref_slice %arg2[%add3A_110, %dma_wait3A_147] : memref<8192x8192xf32, #tpu.memory_space<hbm>> -> memref<2x8192xf32, #tpu.memory_space<hbm>>
    tpu.wait_dma2 semaphore(%arg8 : memref<!tpu.dma_semaphore, #tpu.memory_space<semaphore_mem>>) src(%dma_wait3A_148 : memref<2x8192xf32, #tpu.memory_space<hbm>>) dst(%arg4 : memref<2x8192xf32, #tpu.memory_space<vmem>>)
    %add3A_149 = arith.constant 32 : i32
    %add3A_150 = arith.addi %mul3A_2, %add3A_149 : i32
    %dma_start3A_151 = arith.constant 0 : i32
    %dma_start3A_152 = tpu.memref_slice %arg2[%add3A_150, %dma_start3A_151] : memref<8192x8192xf32, #tpu.memory_space<hbm>> -> memref<2x8192xf32, #tpu.memory_space<hbm>>
    %dma_start3A_153 = arith.constant 0 : i32
    %dma_start3A_154 = tpu.memref_slice %arg2[%add3A_150, %dma_start3A_153] : memref<8192x8192xf32, #tpu.memory_space<hbm>> -> memref<2x8192xf32, #tpu.memory_space<hbm>>
    tpu.enqueue_dma source(%dma_start3A_154 : memref<2x8192xf32, #tpu.memory_space<hbm>>) target(%arg4 : memref<2x8192xf32, #tpu.memory_space<vmem>>) target_semaphore(%arg8 : memref<!tpu.dma_semaphore, #tpu.memory_space<semaphore_mem>>)
    %dma_wait3A_155 = arith.constant 0 : i32
    %dma_wait3A_156 = tpu.memref_slice %arg2[%add3A_120, %dma_wait3A_155] : memref<8192x8192xf32, #tpu.memory_space<hbm>> -> memref<2x8192xf32, #tpu.memory_space<hbm>>
    %dma_wait3A_157 = arith.constant 0 : i32
    %dma_wait3A_158 = tpu.memref_slice %arg2[%add3A_120, %dma_wait3A_157] : memref<8192x8192xf32, #tpu.memory_space<hbm>> -> memref<2x8192xf32, #tpu.memory_space<hbm>>
    tpu.wait_dma2 semaphore(%arg9 : memref<!tpu.dma_semaphore, #tpu.memory_space<semaphore_mem>>) src(%dma_wait3A_158 : memref<2x8192xf32, #tpu.memory_space<hbm>>) dst(%arg5 : memref<2x8192xf32, #tpu.memory_space<vmem>>)
    %add3A_159 = arith.constant 34 : i32
    %add3A_160 = arith.addi %mul3A_2, %add3A_159 : i32
    %dma_start3A_161 = arith.constant 0 : i32
    %dma_start3A_162 = tpu.memref_slice %arg2[%add3A_160, %dma_start3A_161] : memref<8192x8192xf32, #tpu.memory_space<hbm>> -> memref<2x8192xf32, #tpu.memory_space<hbm>>
    %dma_start3A_163 = arith.constant 0 : i32
    %dma_start3A_164 = tpu.memref_slice %arg2[%add3A_160, %dma_start3A_163] : memref<8192x8192xf32, #tpu.memory_space<hbm>> -> memref<2x8192xf32, #tpu.memory_space<hbm>>
    tpu.enqueue_dma source(%dma_start3A_164 : memref<2x8192xf32, #tpu.memory_space<hbm>>) target(%arg5 : memref<2x8192xf32, #tpu.memory_space<vmem>>) target_semaphore(%arg9 : memref<!tpu.dma_semaphore, #tpu.memory_space<semaphore_mem>>)
    %dma_wait3A_165 = arith.constant 0 : i32
    %dma_wait3A_166 = tpu.memref_slice %arg2[%add3A_130, %dma_wait3A_165] : memref<8192x8192xf32, #tpu.memory_space<hbm>> -> memref<2x8192xf32, #tpu.memory_space<hbm>>
    %dma_wait3A_167 = arith.constant 0 : i32
    %dma_wait3A_168 = tpu.memref_slice %arg2[%add3A_130, %dma_wait3A_167] : memref<8192x8192xf32, #tpu.memory_space<hbm>> -> memref<2x8192xf32, #tpu.memory_space<hbm>>
    tpu.wait_dma2 semaphore(%arg10 : memref<!tpu.dma_semaphore, #tpu.memory_space<semaphore_mem>>) src(%dma_wait3A_168 : memref<2x8192xf32, #tpu.memory_space<hbm>>) dst(%arg6 : memref<2x8192xf32, #tpu.memory_space<vmem>>)
    %add3A_169 = arith.constant 36 : i32
    %add3A_170 = arith.addi %mul3A_2, %add3A_169 : i32
    %dma_start3A_171 = arith.constant 0 : i32
    %dma_start3A_172 = tpu.memref_slice %arg2[%add3A_170, %dma_start3A_171] : memref<8192x8192xf32, #tpu.memory_space<hbm>> -> memref<2x8192xf32, #tpu.memory_space<hbm>>
    %dma_start3A_173 = arith.constant 0 : i32
    %dma_start3A_174 = tpu.memref_slice %arg2[%add3A_170, %dma_start3A_173] : memref<8192x8192xf32, #tpu.memory_space<hbm>> -> memref<2x8192xf32, #tpu.memory_space<hbm>>
    tpu.enqueue_dma source(%dma_start3A_174 : memref<2x8192xf32, #tpu.memory_space<hbm>>) target(%arg6 : memref<2x8192xf32, #tpu.memory_space<vmem>>) target_semaphore(%arg10 : memref<!tpu.dma_semaphore, #tpu.memory_space<semaphore_mem>>)
    %dma_wait3A_175 = arith.constant 0 : i32
    %dma_wait3A_176 = tpu.memref_slice %arg2[%add3A_140, %dma_wait3A_175] : memref<8192x8192xf32, #tpu.memory_space<hbm>> -> memref<2x8192xf32, #tpu.memory_space<hbm>>
    %dma_wait3A_177 = arith.constant 0 : i32
    %dma_wait3A_178 = tpu.memref_slice %arg2[%add3A_140, %dma_wait3A_177] : memref<8192x8192xf32, #tpu.memory_space<hbm>> -> memref<2x8192xf32, #tpu.memory_space<hbm>>
    tpu.wait_dma2 semaphore(%arg11 : memref<!tpu.dma_semaphore, #tpu.memory_space<semaphore_mem>>) src(%dma_wait3A_178 : memref<2x8192xf32, #tpu.memory_space<hbm>>) dst(%arg7 : memref<2x8192xf32, #tpu.memory_space<vmem>>)
    %add3A_179 = arith.constant 38 : i32
    %add3A_180 = arith.addi %mul3A_2, %add3A_179 : i32
    %dma_start3A_181 = arith.constant 0 : i32
    %dma_start3A_182 = tpu.memref_slice %arg2[%add3A_180, %dma_start3A_181] : memref<8192x8192xf32, #tpu.memory_space<hbm>> -> memref<2x8192xf32, #tpu.memory_space<hbm>>
    %dma_start3A_183 = arith.constant 0 : i32
    %dma_start3A_184 = tpu.memref_slice %arg2[%add3A_180, %dma_start3A_183] : memref<8192x8192xf32, #tpu.memory_space<hbm>> -> memref<2x8192xf32, #tpu.memory_space<hbm>>
    tpu.enqueue_dma source(%dma_start3A_184 : memref<2x8192xf32, #tpu.memory_space<hbm>>) target(%arg7 : memref<2x8192xf32, #tpu.memory_space<vmem>>) target_semaphore(%arg11 : memref<!tpu.dma_semaphore, #tpu.memory_space<semaphore_mem>>)
    %dma_wait3A_185 = arith.constant 0 : i32
    %dma_wait3A_186 = tpu.memref_slice %arg2[%add3A_150, %dma_wait3A_185] : memref<8192x8192xf32, #tpu.memory_space<hbm>> -> memref<2x8192xf32, #tpu.memory_space<hbm>>
    %dma_wait3A_187 = arith.constant 0 : i32
    %dma_wait3A_188 = tpu.memref_slice %arg2[%add3A_150, %dma_wait3A_187] : memref<8192x8192xf32, #tpu.memory_space<hbm>> -> memref<2x8192xf32, #tpu.memory_space<hbm>>
    tpu.wait_dma2 semaphore(%arg8 : memref<!tpu.dma_semaphore, #tpu.memory_space<semaphore_mem>>) src(%dma_wait3A_188 : memref<2x8192xf32, #tpu.memory_space<hbm>>) dst(%arg4 : memref<2x8192xf32, #tpu.memory_space<vmem>>)
    %add3A_189 = arith.constant 40 : i32
    %add3A_190 = arith.addi %mul3A_2, %add3A_189 : i32
    %dma_start3A_191 = arith.constant 0 : i32
    %dma_start3A_192 = tpu.memref_slice %arg2[%add3A_190, %dma_start3A_191] : memref<8192x8192xf32, #tpu.memory_space<hbm>> -> memref<2x8192xf32, #tpu.memory_space<hbm>>
    %dma_start3A_193 = arith.constant 0 : i32
    %dma_start3A_194 = tpu.memref_slice %arg2[%add3A_190, %dma_start3A_193] : memref<8192x8192xf32, #tpu.memory_space<hbm>> -> memref<2x8192xf32, #tpu.memory_space<hbm>>
    tpu.enqueue_dma source(%dma_start3A_194 : memref<2x8192xf32, #tpu.memory_space<hbm>>) target(%arg4 : memref<2x8192xf32, #tpu.memory_space<vmem>>) target_semaphore(%arg8 : memref<!tpu.dma_semaphore, #tpu.memory_space<semaphore_mem>>)
    %dma_wait3A_195 = arith.constant 0 : i32
    %dma_wait3A_196 = tpu.memref_slice %arg2[%add3A_160, %dma_wait3A_195] : memref<8192x8192xf32, #tpu.memory_space<hbm>> -> memref<2x8192xf32, #tpu.memory_space<hbm>>
    %dma_wait3A_197 = arith.constant 0 : i32
    %dma_wait3A_198 = tpu.memref_slice %arg2[%add3A_160, %dma_wait3A_197] : memref<8192x8192xf32, #tpu.memory_space<hbm>> -> memref<2x8192xf32, #tpu.memory_space<hbm>>
    tpu.wait_dma2 semaphore(%arg9 : memref<!tpu.dma_semaphore, #tpu.memory_space<semaphore_mem>>) src(%dma_wait3A_198 : memref<2x8192xf32, #tpu.memory_space<hbm>>) dst(%arg5 : memref<2x8192xf32, #tpu.memory_space<vmem>>)
    %add3A_199 = arith.constant 42 : i32
    %add3A_200 = arith.addi %mul3A_2, %add3A_199 : i32
    %dma_start3A_201 = arith.constant 0 : i32
    %dma_start3A_202 = tpu.memref_slice %arg2[%add3A_200, %dma_start3A_201] : memref<8192x8192xf32, #tpu.memory_space<hbm>> -> memref<2x8192xf32, #tpu.memory_space<hbm>>
    %dma_start3A_203 = arith.constant 0 : i32
    %dma_start3A_204 = tpu.memref_slice %arg2[%add3A_200, %dma_start3A_203] : memref<8192x8192xf32, #tpu.memory_space<hbm>> -> memref<2x8192xf32, #tpu.memory_space<hbm>>
    tpu.enqueue_dma source(%dma_start3A_204 : memref<2x8192xf32, #tpu.memory_space<hbm>>) target(%arg5 : memref<2x8192xf32, #tpu.memory_space<vmem>>) target_semaphore(%arg9 : memref<!tpu.dma_semaphore, #tpu.memory_space<semaphore_mem>>)
    %dma_wait3A_205 = arith.constant 0 : i32
    %dma_wait3A_206 = tpu.memref_slice %arg2[%add3A_170, %dma_wait3A_205] : memref<8192x8192xf32, #tpu.memory_space<hbm>> -> memref<2x8192xf32, #tpu.memory_space<hbm>>
    %dma_wait3A_207 = arith.constant 0 : i32
    %dma_wait3A_208 = tpu.memref_slice %arg2[%add3A_170, %dma_wait3A_207] : memref<8192x8192xf32, #tpu.memory_space<hbm>> -> memref<2x8192xf32, #tpu.memory_space<hbm>>
    tpu.wait_dma2 semaphore(%arg10 : memref<!tpu.dma_semaphore, #tpu.memory_space<semaphore_mem>>) src(%dma_wait3A_208 : memref<2x8192xf32, #tpu.memory_space<hbm>>) dst(%arg6 : memref<2x8192xf32, #tpu.memory_space<vmem>>)
    %add3A_209 = arith.constant 44 : i32
    %add3A_210 = arith.addi %mul3A_2, %add3A_209 : i32
    %dma_start3A_211 = arith.constant 0 : i32
    %dma_start3A_212 = tpu.memref_slice %arg2[%add3A_210, %dma_start3A_211] : memref<8192x8192xf32, #tpu.memory_space<hbm>> -> memref<2x8192xf32, #tpu.memory_space<hbm>>
    %dma_start3A_213 = arith.constant 0 : i32
    %dma_start3A_214 = tpu.memref_slice %arg2[%add3A_210, %dma_start3A_213] : memref<8192x8192xf32, #tpu.memory_space<hbm>> -> memref<2x8192xf32, #tpu.memory_space<hbm>>
    tpu.enqueue_dma source(%dma_start3A_214 : memref<2x8192xf32, #tpu.memory_space<hbm>>) target(%arg6 : memref<2x8192xf32, #tpu.memory_space<vmem>>) target_semaphore(%arg10 : memref<!tpu.dma_semaphore, #tpu.memory_space<semaphore_mem>>)
    %dma_wait3A_215 = arith.constant 0 : i32
    %dma_wait3A_216 = tpu.memref_slice %arg2[%add3A_180, %dma_wait3A_215] : memref<8192x8192xf32, #tpu.memory_space<hbm>> -> memref<2x8192xf32, #tpu.memory_space<hbm>>
    %dma_wait3A_217 = arith.constant 0 : i32
    %dma_wait3A_218 = tpu.memref_slice %arg2[%add3A_180, %dma_wait3A_217] : memref<8192x8192xf32, #tpu.memory_space<hbm>> -> memref<2x8192xf32, #tpu.memory_space<hbm>>
    tpu.wait_dma2 semaphore(%arg11 : memref<!tpu.dma_semaphore, #tpu.memory_space<semaphore_mem>>) src(%dma_wait3A_218 : memref<2x8192xf32, #tpu.memory_space<hbm>>) dst(%arg7 : memref<2x8192xf32, #tpu.memory_space<vmem>>)
    %add3A_219 = arith.constant 46 : i32
    %add3A_220 = arith.addi %mul3A_2, %add3A_219 : i32
    %dma_start3A_221 = arith.constant 0 : i32
    %dma_start3A_222 = tpu.memref_slice %arg2[%add3A_220, %dma_start3A_221] : memref<8192x8192xf32, #tpu.memory_space<hbm>> -> memref<2x8192xf32, #tpu.memory_space<hbm>>
    %dma_start3A_223 = arith.constant 0 : i32
    %dma_start3A_224 = tpu.memref_slice %arg2[%add3A_220, %dma_start3A_223] : memref<8192x8192xf32, #tpu.memory_space<hbm>> -> memref<2x8192xf32, #tpu.memory_space<hbm>>
    tpu.enqueue_dma source(%dma_start3A_224 : memref<2x8192xf32, #tpu.memory_space<hbm>>) target(%arg7 : memref<2x8192xf32, #tpu.memory_space<vmem>>) target_semaphore(%arg11 : memref<!tpu.dma_semaphore, #tpu.memory_space<semaphore_mem>>)
    %dma_wait3A_225 = arith.constant 0 : i32
    %dma_wait3A_226 = tpu.memref_slice %arg2[%add3A_190, %dma_wait3A_225] : memref<8192x8192xf32, #tpu.memory_space<hbm>> -> memref<2x8192xf32, #tpu.memory_space<hbm>>
    %dma_wait3A_227 = arith.constant 0 : i32
    %dma_wait3A_228 = tpu.memref_slice %arg2[%add3A_190, %dma_wait3A_227] : memref<8192x8192xf32, #tpu.memory_space<hbm>> -> memref<2x8192xf32, #tpu.memory_space<hbm>>
    tpu.wait_dma2 semaphore(%arg8 : memref<!tpu.dma_semaphore, #tpu.memory_space<semaphore_mem>>) src(%dma_wait3A_228 : memref<2x8192xf32, #tpu.memory_space<hbm>>) dst(%arg4 : memref<2x8192xf32, #tpu.memory_space<vmem>>)
    %add3A_229 = arith.constant 48 : i32
    %add3A_230 = arith.addi %mul3A_2, %add3A_229 : i32
    %dma_start3A_231 = arith.constant 0 : i32
    %dma_start3A_232 = tpu.memref_slice %arg2[%add3A_230, %dma_start3A_231] : memref<8192x8192xf32, #tpu.memory_space<hbm>> -> memref<2x8192xf32, #tpu.memory_space<hbm>>
    %dma_start3A_233 = arith.constant 0 : i32
    %dma_start3A_234 = tpu.memref_slice %arg2[%add3A_230, %dma_start3A_233] : memref<8192x8192xf32, #tpu.memory_space<hbm>> -> memref<2x8192xf32, #tpu.memory_space<hbm>>
    tpu.enqueue_dma source(%dma_start3A_234 : memref<2x8192xf32, #tpu.memory_space<hbm>>) target(%arg4 : memref<2x8192xf32, #tpu.memory_space<vmem>>) target_semaphore(%arg8 : memref<!tpu.dma_semaphore, #tpu.memory_space<semaphore_mem>>)
    %dma_wait3A_235 = arith.constant 0 : i32
    %dma_wait3A_236 = tpu.memref_slice %arg2[%add3A_200, %dma_wait3A_235] : memref<8192x8192xf32, #tpu.memory_space<hbm>> -> memref<2x8192xf32, #tpu.memory_space<hbm>>
    %dma_wait3A_237 = arith.constant 0 : i32
    %dma_wait3A_238 = tpu.memref_slice %arg2[%add3A_200, %dma_wait3A_237] : memref<8192x8192xf32, #tpu.memory_space<hbm>> -> memref<2x8192xf32, #tpu.memory_space<hbm>>
    tpu.wait_dma2 semaphore(%arg9 : memref<!tpu.dma_semaphore, #tpu.memory_space<semaphore_mem>>) src(%dma_wait3A_238 : memref<2x8192xf32, #tpu.memory_space<hbm>>) dst(%arg5 : memref<2x8192xf32, #tpu.memory_space<vmem>>)
    %add3A_239 = arith.constant 50 : i32
    %add3A_240 = arith.addi %mul3A_2, %add3A_239 : i32
    %dma_start3A_241 = arith.constant 0 : i32
    %dma_start3A_242 = tpu.memref_slice %arg2[%add3A_240, %dma_start3A_241] : memref<8192x8192xf32, #tpu.memory_space<hbm>> -> memref<2x8192xf32, #tpu.memory_space<hbm>>
    %dma_start3A_243 = arith.constant 0 : i32
    %dma_start3A_244 = tpu.memref_slice %arg2[%add3A_240, %dma_start3A_243] : memref<8192x8192xf32, #tpu.memory_space<hbm>> -> memref<2x8192xf32, #tpu.memory_space<hbm>>
    tpu.enqueue_dma source(%dma_start3A_244 : memref<2x8192xf32, #tpu.memory_space<hbm>>) target(%arg5 : memref<2x8192xf32, #tpu.memory_space<vmem>>) target_semaphore(%arg9 : memref<!tpu.dma_semaphore, #tpu.memory_space<semaphore_mem>>)
    %dma_wait3A_245 = arith.constant 0 : i32
    %dma_wait3A_246 = tpu.memref_slice %arg2[%add3A_210, %dma_wait3A_245] : memref<8192x8192xf32, #tpu.memory_space<hbm>> -> memref<2x8192xf32, #tpu.memory_space<hbm>>
    %dma_wait3A_247 = arith.constant 0 : i32
    %dma_wait3A_248 = tpu.memref_slice %arg2[%add3A_210, %dma_wait3A_247] : memref<8192x8192xf32, #tpu.memory_space<hbm>> -> memref<2x8192xf32, #tpu.memory_space<hbm>>
    tpu.wait_dma2 semaphore(%arg10 : memref<!tpu.dma_semaphore, #tpu.memory_space<semaphore_mem>>) src(%dma_wait3A_248 : memref<2x8192xf32, #tpu.memory_space<hbm>>) dst(%arg6 : memref<2x8192xf32, #tpu.memory_space<vmem>>)
    %add3A_249 = arith.constant 52 : i32
    %add3A_250 = arith.addi %mul3A_2, %add3A_249 : i32
    %dma_start3A_251 = arith.constant 0 : i32
    %dma_start3A_252 = tpu.memref_slice %arg2[%add3A_250, %dma_start3A_251] : memref<8192x8192xf32, #tpu.memory_space<hbm>> -> memref<2x8192xf32, #tpu.memory_space<hbm>>
    %dma_start3A_253 = arith.constant 0 : i32
    %dma_start3A_254 = tpu.memref_slice %arg2[%add3A_250, %dma_start3A_253] : memref<8192x8192xf32, #tpu.memory_space<hbm>> -> memref<2x8192xf32, #tpu.memory_space<hbm>>
    tpu.enqueue_dma source(%dma_start3A_254 : memref<2x8192xf32, #tpu.memory_space<hbm>>) target(%arg6 : memref<2x8192xf32, #tpu.memory_space<vmem>>) target_semaphore(%arg10 : memref<!tpu.dma_semaphore, #tpu.memory_space<semaphore_mem>>)
    %dma_wait3A_255 = arith.constant 0 : i32
    %dma_wait3A_256 = tpu.memref_slice %arg2[%add3A_220, %dma_wait3A_255] : memref<8192x8192xf32, #tpu.memory_space<hbm>> -> memref<2x8192xf32, #tpu.memory_space<hbm>>
    %dma_wait3A_257 = arith.constant 0 : i32
    %dma_wait3A_258 = tpu.memref_slice %arg2[%add3A_220, %dma_wait3A_257] : memref<8192x8192xf32, #tpu.memory_space<hbm>> -> memref<2x8192xf32, #tpu.memory_space<hbm>>
    tpu.wait_dma2 semaphore(%arg11 : memref<!tpu.dma_semaphore, #tpu.memory_space<semaphore_mem>>) src(%dma_wait3A_258 : memref<2x8192xf32, #tpu.memory_space<hbm>>) dst(%arg7 : memref<2x8192xf32, #tpu.memory_space<vmem>>)
    %add3A_259 = arith.constant 54 : i32
    %add3A_260 = arith.addi %mul3A_2, %add3A_259 : i32
    %dma_start3A_261 = arith.constant 0 : i32
    %dma_start3A_262 = tpu.memref_slice %arg2[%add3A_260, %dma_start3A_261] : memref<8192x8192xf32, #tpu.memory_space<hbm>> -> memref<2x8192xf32, #tpu.memory_space<hbm>>
    %dma_start3A_263 = arith.constant 0 : i32
    %dma_start3A_264 = tpu.memref_slice %arg2[%add3A_260, %dma_start3A_263] : memref<8192x8192xf32, #tpu.memory_space<hbm>> -> memref<2x8192xf32, #tpu.memory_space<hbm>>
    tpu.enqueue_dma source(%dma_start3A_264 : memref<2x8192xf32, #tpu.memory_space<hbm>>) target(%arg7 : memref<2x8192xf32, #tpu.memory_space<vmem>>) target_semaphore(%arg11 : memref<!tpu.dma_semaphore, #tpu.memory_space<semaphore_mem>>)
    %dma_wait3A_265 = arith.constant 0 : i32
    %dma_wait3A_266 = tpu.memref_slice %arg2[%add3A_230, %dma_wait3A_265] : memref<8192x8192xf32, #tpu.memory_space<hbm>> -> memref<2x8192xf32, #tpu.memory_space<hbm>>
    %dma_wait3A_267 = arith.constant 0 : i32
    %dma_wait3A_268 = tpu.memref_slice %arg2[%add3A_230, %dma_wait3A_267] : memref<8192x8192xf32, #tpu.memory_space<hbm>> -> memref<2x8192xf32, #tpu.memory_space<hbm>>
    tpu.wait_dma2 semaphore(%arg8 : memref<!tpu.dma_semaphore, #tpu.memory_space<semaphore_mem>>) src(%dma_wait3A_268 : memref<2x8192xf32, #tpu.memory_space<hbm>>) dst(%arg4 : memref<2x8192xf32, #tpu.memory_space<vmem>>)
    %add3A_269 = arith.constant 56 : i32
    %add3A_270 = arith.addi %mul3A_2, %add3A_269 : i32
    %dma_start3A_271 = arith.constant 0 : i32
    %dma_start3A_272 = tpu.memref_slice %arg2[%add3A_270, %dma_start3A_271] : memref<8192x8192xf32, #tpu.memory_space<hbm>> -> memref<2x8192xf32, #tpu.memory_space<hbm>>
    %dma_start3A_273 = arith.constant 0 : i32
    %dma_start3A_274 = tpu.memref_slice %arg2[%add3A_270, %dma_start3A_273] : memref<8192x8192xf32, #tpu.memory_space<hbm>> -> memref<2x8192xf32, #tpu.memory_space<hbm>>
    tpu.enqueue_dma source(%dma_start3A_274 : memref<2x8192xf32, #tpu.memory_space<hbm>>) target(%arg4 : memref<2x8192xf32, #tpu.memory_space<vmem>>) target_semaphore(%arg8 : memref<!tpu.dma_semaphore, #tpu.memory_space<semaphore_mem>>)
    %dma_wait3A_275 = arith.constant 0 : i32
    %dma_wait3A_276 = tpu.memref_slice %arg2[%add3A_240, %dma_wait3A_275] : memref<8192x8192xf32, #tpu.memory_space<hbm>> -> memref<2x8192xf32, #tpu.memory_space<hbm>>
    %dma_wait3A_277 = arith.constant 0 : i32
    %dma_wait3A_278 = tpu.memref_slice %arg2[%add3A_240, %dma_wait3A_277] : memref<8192x8192xf32, #tpu.memory_space<hbm>> -> memref<2x8192xf32, #tpu.memory_space<hbm>>
    tpu.wait_dma2 semaphore(%arg9 : memref<!tpu.dma_semaphore, #tpu.memory_space<semaphore_mem>>) src(%dma_wait3A_278 : memref<2x8192xf32, #tpu.memory_space<hbm>>) dst(%arg5 : memref<2x8192xf32, #tpu.memory_space<vmem>>)
    %add3A_279 = arith.constant 58 : i32
    %add3A_280 = arith.addi %mul3A_2, %add3A_279 : i32
    %dma_start3A_281 = arith.constant 0 : i32
    %dma_start3A_282 = tpu.memref_slice %arg2[%add3A_280, %dma_start3A_281] : memref<8192x8192xf32, #tpu.memory_space<hbm>> -> memref<2x8192xf32, #tpu.memory_space<hbm>>
    %dma_start3A_283 = arith.constant 0 : i32
    %dma_start3A_284 = tpu.memref_slice %arg2[%add3A_280, %dma_start3A_283] : memref<8192x8192xf32, #tpu.memory_space<hbm>> -> memref<2x8192xf32, #tpu.memory_space<hbm>>
    tpu.enqueue_dma source(%dma_start3A_284 : memref<2x8192xf32, #tpu.memory_space<hbm>>) target(%arg5 : memref<2x8192xf32, #tpu.memory_space<vmem>>) target_semaphore(%arg9 : memref<!tpu.dma_semaphore, #tpu.memory_space<semaphore_mem>>)
    %dma_wait3A_285 = arith.constant 0 : i32
    %dma_wait3A_286 = tpu.memref_slice %arg2[%add3A_250, %dma_wait3A_285] : memref<8192x8192xf32, #tpu.memory_space<hbm>> -> memref<2x8192xf32, #tpu.memory_space<hbm>>
    %dma_wait3A_287 = arith.constant 0 : i32
    %dma_wait3A_288 = tpu.memref_slice %arg2[%add3A_250, %dma_wait3A_287] : memref<8192x8192xf32, #tpu.memory_space<hbm>> -> memref<2x8192xf32, #tpu.memory_space<hbm>>
    tpu.wait_dma2 semaphore(%arg10 : memref<!tpu.dma_semaphore, #tpu.memory_space<semaphore_mem>>) src(%dma_wait3A_288 : memref<2x8192xf32, #tpu.memory_space<hbm>>) dst(%arg6 : memref<2x8192xf32, #tpu.memory_space<vmem>>)
    %add3A_289 = arith.constant 60 : i32
    %add3A_290 = arith.addi %mul3A_2, %add3A_289 : i32
    %dma_start3A_291 = arith.constant 0 : i32
    %dma_start3A_292 = tpu.memref_slice %arg2[%add3A_290, %dma_start3A_291] : memref<8192x8192xf32, #tpu.memory_space<hbm>> -> memref<2x8192xf32, #tpu.memory_space<hbm>>
    %dma_start3A_293 = arith.constant 0 : i32
    %dma_start3A_294 = tpu.memref_slice %arg2[%add3A_290, %dma_start3A_293] : memref<8192x8192xf32, #tpu.memory_space<hbm>> -> memref<2x8192xf32, #tpu.memory_space<hbm>>
    tpu.enqueue_dma source(%dma_start3A_294 : memref<2x8192xf32, #tpu.memory_space<hbm>>) target(%arg6 : memref<2x8192xf32, #tpu.memory_space<vmem>>) target_semaphore(%arg10 : memref<!tpu.dma_semaphore, #tpu.memory_space<semaphore_mem>>)
    %dma_wait3A_295 = arith.constant 0 : i32
    %dma_wait3A_296 = tpu.memref_slice %arg2[%add3A_260, %dma_wait3A_295] : memref<8192x8192xf32, #tpu.memory_space<hbm>> -> memref<2x8192xf32, #tpu.memory_space<hbm>>
    %dma_wait3A_297 = arith.constant 0 : i32
    %dma_wait3A_298 = tpu.memref_slice %arg2[%add3A_260, %dma_wait3A_297] : memref<8192x8192xf32, #tpu.memory_space<hbm>> -> memref<2x8192xf32, #tpu.memory_space<hbm>>
    tpu.wait_dma2 semaphore(%arg11 : memref<!tpu.dma_semaphore, #tpu.memory_space<semaphore_mem>>) src(%dma_wait3A_298 : memref<2x8192xf32, #tpu.memory_space<hbm>>) dst(%arg7 : memref<2x8192xf32, #tpu.memory_space<vmem>>)
    %add3A_299 = arith.constant 62 : i32
    %add3A_300 = arith.addi %mul3A_2, %add3A_299 : i32
    %dma_start3A_301 = arith.constant 0 : i32
    %dma_start3A_302 = tpu.memref_slice %arg2[%add3A_300, %dma_start3A_301] : memref<8192x8192xf32, #tpu.memory_space<hbm>> -> memref<2x8192xf32, #tpu.memory_space<hbm>>
    %dma_start3A_303 = arith.constant 0 : i32
    %dma_start3A_304 = tpu.memref_slice %arg2[%add3A_300, %dma_start3A_303] : memref<8192x8192xf32, #tpu.memory_space<hbm>> -> memref<2x8192xf32, #tpu.memory_space<hbm>>
    tpu.enqueue_dma source(%dma_start3A_304 : memref<2x8192xf32, #tpu.memory_space<hbm>>) target(%arg7 : memref<2x8192xf32, #tpu.memory_space<vmem>>) target_semaphore(%arg11 : memref<!tpu.dma_semaphore, #tpu.memory_space<semaphore_mem>>)
    %dma_wait3A_305 = arith.constant 0 : i32
    %dma_wait3A_306 = tpu.memref_slice %arg2[%add3A_270, %dma_wait3A_305] : memref<8192x8192xf32, #tpu.memory_space<hbm>> -> memref<2x8192xf32, #tpu.memory_space<hbm>>
    %dma_wait3A_307 = arith.constant 0 : i32
    %dma_wait3A_308 = tpu.memref_slice %arg2[%add3A_270, %dma_wait3A_307] : memref<8192x8192xf32, #tpu.memory_space<hbm>> -> memref<2x8192xf32, #tpu.memory_space<hbm>>
    tpu.wait_dma2 semaphore(%arg8 : memref<!tpu.dma_semaphore, #tpu.memory_space<semaphore_mem>>) src(%dma_wait3A_308 : memref<2x8192xf32, #tpu.memory_space<hbm>>) dst(%arg4 : memref<2x8192xf32, #tpu.memory_space<vmem>>)
    %dma_wait3A_309 = arith.constant 0 : i32
    %dma_wait3A_310 = tpu.memref_slice %arg2[%add3A_280, %dma_wait3A_309] : memref<8192x8192xf32, #tpu.memory_space<hbm>> -> memref<2x8192xf32, #tpu.memory_space<hbm>>
    %dma_wait3A_311 = arith.constant 0 : i32
    %dma_wait3A_312 = tpu.memref_slice %arg2[%add3A_280, %dma_wait3A_311] : memref<8192x8192xf32, #tpu.memory_space<hbm>> -> memref<2x8192xf32, #tpu.memory_space<hbm>>
    tpu.wait_dma2 semaphore(%arg9 : memref<!tpu.dma_semaphore, #tpu.memory_space<semaphore_mem>>) src(%dma_wait3A_312 : memref<2x8192xf32, #tpu.memory_space<hbm>>) dst(%arg5 : memref<2x8192xf32, #tpu.memory_space<vmem>>)
    %dma_wait3A_313 = arith.constant 0 : i32
    %dma_wait3A_314 = tpu.memref_slice %arg2[%add3A_290, %dma_wait3A_313] : memref<8192x8192xf32, #tpu.memory_space<hbm>> -> memref<2x8192xf32, #tpu.memory_space<hbm>>
    %dma_wait3A_315 = arith.constant 0 : i32
    %dma_wait3A_316 = tpu.memref_slice %arg2[%add3A_290, %dma_wait3A_315] : memref<8192x8192xf32, #tpu.memory_space<hbm>> -> memref<2x8192xf32, #tpu.memory_space<hbm>>
    tpu.wait_dma2 semaphore(%arg10 : memref<!tpu.dma_semaphore, #tpu.memory_space<semaphore_mem>>) src(%dma_wait3A_316 : memref<2x8192xf32, #tpu.memory_space<hbm>>) dst(%arg6 : memref<2x8192xf32, #tpu.memory_space<vmem>>)
    %dma_wait3A_317 = arith.constant 0 : i32
    %dma_wait3A_318 = tpu.memref_slice %arg2[%add3A_300, %dma_wait3A_317] : memref<8192x8192xf32, #tpu.memory_space<hbm>> -> memref<2x8192xf32, #tpu.memory_space<hbm>>
    %dma_wait3A_319 = arith.constant 0 : i32
    %dma_wait3A_320 = tpu.memref_slice %arg2[%add3A_300, %dma_wait3A_319] : memref<8192x8192xf32, #tpu.memory_space<hbm>> -> memref<2x8192xf32, #tpu.memory_space<hbm>>
    tpu.wait_dma2 semaphore(%arg11 : memref<!tpu.dma_semaphore, #tpu.memory_space<semaphore_mem>>) src(%dma_wait3A_320 : memref<2x8192xf32, #tpu.memory_space<hbm>>) dst(%arg7 : memref<2x8192xf32, #tpu.memory_space<vmem>>)
    %get3A = arith.constant 0 : i32
    %get3A_321 = arith.index_cast %get3A : i32 to index
    %get3A_322 = arith.constant 0 : index
    %get3A_323 = tpu.vector_load %arg4[%get3A_321, %get3A_322] {strides = array<i32>} : memref<2x8192xf32, #tpu.memory_space<vmem>>, vector<1x16xf32>,
    %get3A_324 = vector.shape_cast %get3A_323 : vector<1x16xf32> to vector<16xf32>
    %swap3A = arith.constant 0 : index
    %swap3A_325 = tpu.vector_load %arg12[%swap3A] {strides = array<i32>} : memref<16xf32, #tpu.memory_space<vmem>>, vector<16xf32>,
    %swap3A_326 = vector.shape_cast %swap3A_325 : vector<16xf32> to vector<16xf32>
    %swap3A_327 = vector.shape_cast %get3A_324 : vector<16xf32> to vector<16xf32>
    tpu.vector_store %arg12[%swap3A], %swap3A_327 {strides = array<i32>} : memref<16xf32, #tpu.memory_space<vmem>>, vector<16xf32>,
    %mul3A_328 = arith.constant 16 : i32
    %mul3A_329 = arith.muli %add3A, %mul3A_328 : i32
    "tpu.region"() ({
      %run_scoped3A = tpu.sem_alloc : memref<!tpu.dma_semaphore, #tpu.memory_space<semaphore_mem>>
      %dma_start3A_330 = tpu.memref_slice %arg3[%mul3A_329] : memref<512xf32, #tpu.memory_space<hbm>> -> memref<16xf32, #tpu.memory_space<hbm>>
      %dma_start3A_331 = tpu.memref_slice %arg3[%mul3A_329] : memref<512xf32, #tpu.memory_space<hbm>> -> memref<16xf32, #tpu.memory_space<hbm>>
      tpu.enqueue_dma source(%arg12 : memref<16xf32, #tpu.memory_space<vmem>>) target(%dma_start3A_331 : memref<16xf32, #tpu.memory_space<hbm>>) target_semaphore(%run_scoped3A : memref<!tpu.dma_semaphore, #tpu.memory_space<semaphore_mem>>)
      %dma_wait3A_332 = tpu.memref_slice %arg3[%mul3A_329] : memref<512xf32, #tpu.memory_space<hbm>> -> memref<16xf32, #tpu.memory_space<hbm>>
      %dma_wait3A_333 = tpu.memref_slice %arg3[%mul3A_329] : memref<512xf32, #tpu.memory_space<hbm>> -> memref<16xf32, #tpu.memory_space<hbm>>
      tpu.wait_dma2 semaphore(%run_scoped3A : memref<!tpu.dma_semaphore, #tpu.memory_space<semaphore_mem>>) src(%arg12 : memref<16xf32, #tpu.memory_space<vmem>>) dst(%dma_wait3A_333 : memref<16xf32, #tpu.memory_space<hbm>>)
      tpu.yield
    }) : () -> ()
    return
  }
}

module attributes {stable_mosaic.version = 14 : i64} {
  func.func @_tc_stream_kernel(%arg0: i32, %arg1: memref<512x8192xf32, #tpu.memory_space<vmem>>, %arg2: memref<512x1xf32, #tpu.memory_space<vmem>>) attributes {dimension_semantics = [#tpu.dimension_semantics<arbitrary>], iteration_bounds = array<i64: 16>, scalar_prefetch = 0 : i64, scratch_operands = 0 : i64, tpu.core_type = #tpu.core_type<tc>, window_params = [{transform_indices = @transform_0, window_bounds = array<i64: 512, 8192>}, {transform_indices = @transform_1, window_bounds = array<i64: 512, 1>}]} {
    %get3A = arith.constant 0 : index
    %get3A_0 = arith.constant 0 : index
    %get3A_1 = vector.load %arg1[%get3A, %get3A_0] : memref<512x8192xf32, #tpu.memory_space<vmem>>, vector<512x1xf32>
    %swap3A = arith.constant 0 : index
    %swap3A_2 = arith.constant 0 : index
    %swap3A_3 = vector.load %arg2[%swap3A, %swap3A_2] : memref<512x1xf32, #tpu.memory_space<vmem>>, vector<512x1xf32>
    tpu.vector_store %arg2[%swap3A, %swap3A_2], %get3A_1 {strides = array<i32>} : memref<512x1xf32, #tpu.memory_space<vmem>>, vector<512x1xf32>,
    return
  }
  func.func @transform_0(%arg0: i32) -> (i32, i32) {
    %c0_i32 = arith.constant 0 : i32
    %c0_i32_0 = arith.constant 0 : i32
    return %arg0, %c0_i32 : i32, i32
  }
  func.func @transform_1(%arg0: i32) -> (i32, i32) {
    %c0_i32 = arith.constant 0 : i32
    %c0_i32_0 = arith.constant 0 : i32
    return %arg0, %c0_i32 : i32, i32
  }
}

</mosaic_0001>

<sc_bundles>
// kernel: kernel.4.cloned.1.call-start
scs
__scs_entry_jumppad:
0x0: {  	(pc) =	sbr.rel $0x88, $3  }
0x1: {  	(tag) =	ssettag $0x0;
	lr =	simm.s32 $0x1  }
0x2: {  	[smem:$0x3F9E] =	sst lr;
	_ =	strace $0xD0000000  }
0x3: {  	_ = 	snop  }
0x4: {  	_ = 	snop  }
0x5: {  	_ = 	snop  }
0x6: {  	_ = 	snop  }
0x7: {  	_ = 	snop  }
__scs_overlays_trampoline_lowered:
0x8: {  	[smem:$0x3FAD] =	sst s0  }
0x9: {  	[smem:$0x3FAE] =	sst s1  }
0xa: {  	[smem:$0x3FAF] =	sst s2  }
0xb: {  	[smem:$0x3FB0] =	sst s3  }
0xc: {  	[smem:$0x3FB1] =	sst s4  }
0xd: {  	[smem:$0x3FB2] =	sst s5  }
0xe: {  	[smem:$0x3FB3] =	sst s6  }
0xf: {  	[smem:$0x3FB4] =	sst s7  }
0x10: {  	[smem:$0x3FB5] =	sst s8  }
0x11: {  	[smem:$0x3FB6] =	sst s9;
	s0 =	simm.s32 @!p0 $0x0  }
0x12: {  	s1 =	sld [smem:$0x3F9C];
	s0 =	simm.s32 @p0 $0x1  }
0x13: {  	[smem:$0x3FB7] =	sst s0;
	s0 =	simm.s32 @!p1 $0x0  }
0x14: {  	s2 =	sld [smem:$0x3F9B];
	s0 =	simm.s32 @p1 $0x1  }
0x15: {  	[smem:$0x3FB8] =	sst s0;
	s0 =	simm.s32 @!p2 $0x0  }
0x16: {  	s3 =	sld [smem:$0x3FDB];
	s0 =	simm.s32 @p2 $0x1  }
0x17: {  	s4 =	simm.s32 $0x1BF5;
	[smem:$0x3FBA] =	sst s0  }
0x18: {  	s0 =	sld [smem:$0x3F9D];
	_ =	swait.ge [sflag:s4], $0x0  }
0x19: {  	s7 =	sld [smem:$0x3F9E]  }
0x1a: {  	s8 =	sadd.s32 $0xFFFFE003, lr  }
0x1b: {  	s9 =	sadd.s32 $0xFFFFFEF7, lr;
	s5 =	simm.s32 $0xFFFFFFFF;
	p2 =	slt.u32 s8, $0xFFFFF086  }
0x1c: {  	p1 =	slt.u32 s9, $0xF7A;
	s5 =	simm.s32 @!p2 $0x0  }
0x1d: {  	s5 =	simm.s32 @p1 $0x1;
	p0 =	seq.s32 s7, s2  }
0x1e: {  	s7 =	smul.u32 @!p0 $0xF7A, s2;
	p2 =	seq.s32 @!p0 s5, $0x0  }
0x1f: {  	s9 =	smul.u32 $0xF7A, s1;
	s8 =	simm.s32 @!p0 $0x1BF5;
	p2 =	por !p2, p0  }
0x20: {  	[sflag:s8] =	ssyncset.s32 @!p0 $0xFFFFF086;
	s6 =	sadd.s32 @!p0 s3, s7;
	s7 =	simm.s32 @!p0 $0x108  }
0x21: {  	s3 =	sadd.s32 s3, s9;
	s6 =	sadd.s32 @!p0 $0x88, s6;
	s7 =	simm.s32 @p2 $0x1082  }
0x22: {  	[simem:s7], [sflag:s8] =	dma.local @!p0 [hbm:s6], $0xF7A  }
0x23: {  	s9 =	sor.u32 $0xD0000000, s2;
	s6 =	simm.s32 $0x108;
	_ =	swait.ge @!p0 [sflag:s8], $0x0  }
0x24: {  	s3 =	sadd.s32 $0x88, s3;
	s6 =	simm.s32 @!p1 $0x1082;
	[sflag:s4] =	ssyncset.s32 $0xFFFFF086  }
0x25: {  	[simem:s6], [sflag:s4] =	dma.local [hbm:s3], $0xF7A  }
0x26: {  	[smem:$0x3F9E] =	sst s1;
	(tag) =	ssettag s2;
	_ =	strace s9  }
0x27: {  	s1 =	sld [smem:$0x3FAE]  }
0x28: {  	s2 =	sld [smem:$0x3FAF]  }
0x29: {  	s4 =	sld [smem:$0x3FB1]  }
0x2a: {  	p0 =	seq.s32 s5, $0x0;
	s5 =	sld [smem:$0x3FB2]  }
0x2b: {  	s6 =	sld [smem:$0x3FB3]  }
0x2c: {  	s7 =	sld [smem:$0x3FB4]  }
0x2d: {  	s3 =	simm.s32 $0x108;
	s8 =	sld [smem:$0x3FB5]  }
0x2e: {  	s3 =	simm.s32 @!p0 $0x1082;
	s9 =	sld [smem:$0x3FB6]  }
0x2f: {  	lr =	sadd.s32 s0, s3;
	s0 =	sld [smem:$0x3FAD]  }
0x30: {  	s3 =	sld [smem:$0x3FB0]  }
0x31: {  	[smem:$0x3FB9] =	sst s10  }
0x32: {  	s10 =	sld [smem:$0x3FB7];
	_ =	sdelay $0x3  }
0x33: {  	p0 =	seq.s32 s10, $0x1;
	s10 =	sld [smem:$0x3FB9];
	_ =	sdelay $0x3  }
0x34: {  	[smem:$0x3FB9] =	sst s10  }
0x35: {  	s10 =	sld [smem:$0x3FB8];
	_ =	sdelay $0x3  }
0x36: {  	p1 =	seq.s32 s10, $0x1;
	s10 =	sld [smem:$0x3FB9];
	_ =	sdelay $0x3  }
0x37: {  	[smem:$0x3FB9] =	sst s10  }
0x38: {  	s10 =	sld [smem:$0x3FBA]  }
0x39: {  	_ = 	snop;
	(pc) =	sbr.ind lr, $3  }
0x3a: {  	_ = 	snop  }
0x3b: {  	_ = 	snop  }
0x3c: {  	p2 =	seq.s32 s10, $0x1;
	s10 =	sld [smem:$0x3FB9]  }
0x3d: {  	_ =	shalt  }
0x3e: {  	_ =	shalt  }
0x3f: {  	_ =	shalt  }
0x40: {  	_ =	shalt  }
0x41: {  	_ =	shalt  }
0x42: {  	_ =	shalt  }
0x43: {  	_ =	shalt  }
0x44: {  	_ =	shalt  }
0x45: {  	_ =	shalt  }
0x46: {  	_ =	shalt  }
0x47: {  	_ =	shalt  }
0x48: {  	_ =	shalt  }
0x49: {  	_ =	shalt  }
0x4a: {  	_ =	shalt  }
0x4b: {  	_ =	shalt  }
0x4c: {  	_ =	shalt  }
0x4d: {  	_ =	shalt  }
0x4e: {  	_ =	shalt  }
0x4f: {  	_ =	shalt  }
0x50: {  	_ =	shalt  }
0x51: {  	_ =	shalt  }
0x52: {  	_ =	shalt  }
0x53: {  	_ =	shalt  }
0x54: {  	_ =	shalt  }
0x55: {  	_ =	shalt  }
0x56: {  	_ =	shalt  }
0x57: {  	_ =	shalt  }
0x58: {  	_ =	shalt  }
0x59: {  	_ =	shalt  }
0x5a: {  	_ =	shalt  }
0x5b: {  	_ =	shalt  }
0x5c: {  	_ =	shalt  }
0x5d: {  	_ =	shalt  }
0x5e: {  	_ =	shalt  }
0x5f: {  	_ =	shalt  }
0x60: {  	_ =	shalt  }
0x61: {  	_ =	shalt  }
0x62: {  	_ =	shalt  }
0x63: {  	_ =	shalt  }
0x64: {  	_ =	shalt  }
0x65: {  	_ =	shalt  }
0x66: {  	_ =	shalt  }
0x67: {  	_ =	shalt  }
0x68: {  	_ =	shalt  }
0x69: {  	_ =	shalt  }
0x6a: {  	_ =	shalt  }
0x6b: {  	_ =	shalt  }
0x6c: {  	_ =	shalt  }
0x6d: {  	_ =	shalt  }
0x6e: {  	_ =	shalt  }
0x6f: {  	_ =	shalt  }
0x70: {  	_ =	shalt  }
0x71: {  	_ =	shalt  }
0x72: {  	_ =	shalt  }
0x73: {  	_ =	shalt  }
0x74: {  	_ =	shalt  }
0x75: {  	_ =	shalt  }
0x76: {  	_ =	shalt  }
0x77: {  	_ =	shalt  }
0x78: {  	_ =	shalt  }
0x79: {  	_ =	shalt  }
0x7a: {  	_ =	shalt  }
0x7b: {  	_ =	shalt  }
0x7c: {  	_ =	shalt  }
0x7d: {  	_ =	shalt  }
0x7e: {  	_ =	shalt  }
0x7f: {  	_ =	shalt  }
0x80: {  	_ =	shalt  }
0x81: {  	_ =	shalt  }
0x82: {  	_ =	shalt  }
0x83: {  	_ =	shalt  }
0x84: {  	_ =	shalt  }
0x85: {  	_ =	shalt  }
0x86: {  	_ =	shalt  }
0x87: {  	_ =	shalt  }
.Lfunc_end0:
.L_simem_size_0:
called_computation_lowered:
.L_overlay_start_0:
0x88: {  	s2 =	sld [smem:$0x3FD9]  }
0x89: {  	s3 =	sld [smem:$0x3FFE];
	_ =	sdelay $0x1  }
0x8a: {  	s1 =	srdreg.scid  }
0x8b: {  	s0 =	sand.u32 $0x1, s1  }
0x8c: {  	s15 =	sshll.u32 s0, $0xA;
	s2 =	sadd.s32 s3, s2  }
0x8d: {  	s2 =	sadd.s32 s2, s15  }
0x8e: {  	[smem:$0x3FC5] =	sst s2  }
0x8f: {  	_ = 	snop  }
0x90: {  	s2 =	sld [smem:$0x3FD0];
	_ =	sdelay $0x2  }
0x91: {  	s4 =	simm.s32 $0xA;
	s5 =	simm.s32 $0x10;
	s16 =	sld [smem:$0x3FC8]  }
0x92: {  	[smem:s5], [sflag:s4] =	dma.local [hbm:s2], $0x1  }
0x93: {  	_ =	swait.eq [sflag:s4], $0x1  }
0x94: {  	[sflag:s4] =	ssyncset.done $0x0  }
0x95: {  	[sflag:s4] =	ssyncadd.s32 $0xFFFFFFFF  }
0x96: {  	s17 =	sld [smem:$0x11];
	(tm) =	ssettm $0x1  }
0x97: {  	s18 =	sld [smem:$0x3FFB];
	_ =	sdelay $0x3  }
0x98: {  	_ =	strace s18  }
0x99: {  	s4 =	sld [smem:$0x3FFC];
	_ =	sdelay $0x3  }
0x9a: {  	_ =	strace s4  }
0x9b: {  	s4 =	sld [smem:$0x3FFD];
	_ =	sdelay $0x3  }
0x9c: {  	_ =	strace s4  }
0x9d: {  	_ =	strace $0x8FFFFFFF  }
0x9e: {  	s19 =	sld [smem:$0x3FDB];
	_ =	sdelay $0x1  }
0x9f: {  	s20 =	simm.s32 $_scs_section_size  }
0xa0: {  	s6 =	simm.s32 $_size__tile_overlayer_lowered;
	s7 =	simm.s32 $_tile_overlayer_lowered  }
0xa1: {  	s23 =	simm.s32 $0x1BFF;
	s22 =	sshll.u32 s7, $0x1;
	s4 =	sadd.s32 s20, s19  }
0xa2: {  	s8 =	simm.s32 $0x0;
	s21 =	sshll.u32 s6, $0x1;
	s6 =	sadd.s32 s22, s4  }
0xa3: {  	[timem:s8], [sflag:s23] =	dma.local [hbm:s6], s21  }
0xa4: {  	_ =	swait.ge [sflag:s23], s21  }
0xa5: {  	s5 =	ssub.s32 $0x0, s21;
	[sflag:s23] =	ssyncset.done $0x0  }
0xa6: {  	[sflag:s23] =	ssyncadd.s32 s5;
	_ =	sdelay $0x1  }
0xa7: {  	s24 =	simm.s32 $0x1B8B  }
0xa8: {  	_ =	swait.ge [sflag:s24], $0x1  }
0xa9: {  	[sflag:s24] =	ssyncset.done $0x0  }
0xaa: {  	s25 =	simm.s32 $0x1B8E;
	[sflag:s24] =	ssyncadd.s32 $0xFFFFFFFF  }
0xab: {  	s26 =	simm.s32 $execute0_lowered;
	[smem:$0x3FD2] =	sst s25  }
0xac: {  	s5 =	sshll.u32 s26, $0x1;
	_ =	strace $0x80000046;
	[dreg:$0x1] =	wrdreg $0xFFFFFFFF  }
0xad: {  	s28 =	simm.s32 $_size_execute0_lowered;
	s4 =	sadd.s32 s4, s5;
	[dreg:$0x0] =	wrdreg $0x0  }
0xae: {  	s5 =	sshll.u32 s28, $0x1;
	[dreg:$0x2] =	wrdreg s4  }
0xaf: {  	[dreg:$0x3] =	wrdreg s5  }
0xb0: {  	[dreg:$0x4] =	wrdreg $0xC0  }
0xb1: {  	_ =	task [dreg:s8], $0x5FFFF  }
0xb2: {  	[dreg:$0x1] =	wrdreg $0xFFFFFFFF  }
0xb3: {  	[dreg:$0x0] =	wrdreg $0x60  }
0xb4: {  	[dreg:$0x2] =	wrdreg s16  }
0xb5: {  	[dreg:$0x3] =	wrdreg s17  }
0xb6: {  	[dreg:$0x4] =	wrdreg $0x9  }
0xb7: {  	_ =	task.clear_ibuf [dreg:s8], $0x5FFFF;
	_ =	strace $0x90000046  }
0xb8: {  	s29 =	simm.s32 $0x9;
	_ =	strace $0x80000048  }
0xb9: {  	_ =	swait.ge [sflag:s29], $0x1  }
0xba: {  	[sflag:s29] =	ssyncadd.s32 $0xFFFFFFFF  }
0xbb: {  	_ =	strace $0x90000048  }
0xbc: {  	_ =	sfence  }
0xbd: {  	s30 =	sld [smem:$0x0];
	_ =	sdelay $0x2  }
0xbe: {  	s31 =	sshll.u32 s1, $0xD;
	s1 =	sshrl.u32 s1, $0x2  }
0xbf: {  	s3 =	sand.u32 $0x4000, s31;
	s1 =	sadd.s32 s1, s30  }
0xc0: {  	s0 =	sor.u32 s3, s0;
	s1 =	sshll.u32 s1, $0x11  }
0xc1: {  	s0 =	sor.u32 s1, s0  }
0xc2: {  	s0 =	sadd.s32 $0x8F2B, s0  }
0xc3: {  	[sflag:s0] =	ssyncadd.remote.s32 $0x1  }
0xc4: {  	_ =	sfence.sel $0xFFFF  }
0xc5: {  	[dreg:$0x0] =	wrdreg $0xFFFFFFFF;
	(pc) =	sbr.abs _section_cstart, $3  }
0xc6: {  	[dreg:$0x1] =	wrdreg $0xFFFFFFFF  }
0xc7: {  	_ =	task.clear_ibuf [dreg:s8], $0x2FFFF;
	_ =	strace $0x9FFFFFFF  }
0xc8: {  	(tm) =	ssettm $0x7FFFFFFF  }
0xc9: {  	_ =	shalt  }
tec
execute0_lowered:
.L_overlay_start_1:
0x0: {  	(tag) =	ssettag $0x1  }
0x1: {  	s1 =	srdreg.scid;
	s0 =	stileid.u32  }
0x2: {  	s1 =	sand.u32 $0x1, s1;
	s2 =	sshll.u32 s0, $0x1  }
0x3: {  	s3 =	rddreg [dreg:$0x0];
	s5 =	sor.u32 s1, s2  }
0x4: {  	s4 =	rddreg [dreg:$0x1];
	s6 =	sshll.u32 s5, $0x12  }
0x5: {  	p0 =	por $0x0, $0x0;
	s2 =	simm.s32 $0x0;
	s31 =	sadd.s32 s3, s6  }
0x6: {  	s1 =	ssub.s32 $0x2, s1;
	[smem:$0x7FF] =	sst s2;
	s3 =	sadd.s32 $0x20, s31  }
0x7: {  	_ =	strace $0x80000047;
	s25 =	sadd.s32 $0x40, s31;
	[dreg:$0x3] =	wrdreg s3  }
0x8: {  	s16 =	sshrl.u32 s1, $0x1;
	s26 =	sadd.s32 $0x60, s31;
	[dreg:$0x4] =	wrdreg s25  }
0x9: {  	s19 =	sshll.u32 s5, $0x1;
	s0 =	sadd.s32 $0x2000, s31;
	[dreg:$0x5] =	wrdreg s26  }
0xa: {  	s1 =	ssub.s32 s1, s16;
	s6 =	sadd.s32 $0x2020, s31;
	[dreg:$0x6] =	wrdreg s0  }
0xb: {  	s16 =	simm.s32 $0x1;
	s7 =	sadd.s32 $0x2040, s31;
	[dreg:$0x7] =	wrdreg s6  }
0xc: {  	s8 =	sadd.s32 $0x2060, s31;
	s9 =	sadd.s32 $0x4000, s31;
	[dreg:$0x8] =	wrdreg s7  }
0xd: {  	s10 =	sadd.s32 $0x4020, s31;
	s11 =	sadd.s32 $0x4040, s31;
	[dreg:$0x9] =	wrdreg s8  }
0xe: {  	s12 =	sadd.s32 $0x4060, s31;
	s13 =	sadd.s32 $0x6000, s31;
	[dreg:$0xa] =	wrdreg s9  }
0xf: {  	s14 =	sadd.s32 $0x6020, s31;
	s15 =	sadd.s32 $0x6040, s31;
	[dreg:$0xb] =	wrdreg s10  }
0x10: {  	s17 =	sadd.s32 $0x6060, s31;
	s18 =	sadd.s32 $0x8000, s31;
	[dreg:$0xc] =	wrdreg s11  }
0x11: {  	s30 =	sadd.s32 $0x8020, s31;
	s29 =	sadd.s32 $0x8040, s31;
	[dreg:$0xd] =	wrdreg s12  }
0x12: {  	s28 =	sadd.s32 $0x8060, s31;
	s24 =	sadd.s32 $0xA040, s31;
	[dreg:$0xe] =	wrdreg s13  }
0x13: {  	s23 =	sadd.s32 $0xA060, s31;
	s22 =	sadd.s32 $0xC000, s31;
	[dreg:$0xf] =	wrdreg s14  }
0x14: {  	s21 =	sadd.s32 $0xC020, s31;
	s20 =	sadd.s32 $0xC040, s31;
	[dreg:$0x10] =	wrdreg s15  }
0x15: {  	s5 =	sadd.s32 $0xE060, s31;
	s1 =	smax.u32 s1, $0x1;
	[dreg:$0x11] =	wrdreg s17  }
0x16: {  	[dreg:$0x12] =	wrdreg s18;
	s26 =	sadd.s32 $0xA000, s31;
	s25 =	sadd.s32 $0xA020, s31  }
0x17: {  	s18 =	sadd.s32 $0xC060, s31;
	s15 =	sadd.s32 $0xE000, s31;
	p1 =	sne.s32 s1, $0x1  }
.Ltmp0:
0x18: {  	s12 =	sadd.s32 $0xE020, s31;
	s8 =	sadd.s32 $0xE040, s31;
	(pc) =	sbr.rel @!p1 .LBB2_3-.Ltmp0, $4  }
0x19: {  	s3 =	sadd.s32 s4, s19;
	s9 =	simm.s32 $0x100;
	s10 =	simm.s32 $0x400  }
0x1a: {  	s19 =	simm.s32 $0x4000;
	s17 =	simm.s32 $0x8000;
	s14 =	simm.s32 $0xC000  }
0x1b: {  	s0 =	sadd.s32 $0xFFFFFFFF, s1;
	s13 =	simm.s32 $0x2;
	s11 =	simm.s32 $0x3  }
0x1c: {  	s7 =	simm.s32 $0x4;
	s6 =	simm.s32 $0x10000;
	s4 =	simm.s32 $0x5  }
0x1d: {  	[dreg:$0x13] =	wrdreg s0  }
0x1e: {  	[tilespmem:s2], [sflag:$0x1] =	stream.strided.gather [hbm4b:s31+s9], $0x4000, s10, s9, $0x38;
	[tilespmem:$0x10080] =	vst v63  }
0x1f: {  	s0 =	rddreg [dreg:$0x3]  }
0x20: {  	[tilespmem:s19], [sflag:$0x2] =	stream.strided.gather [hbm4b:s0+s9], $0x4000, s10, s9, $0x38;
	[tilespmem:$0x10080] =	vst v63  }
0x21: {  	s1 =	rddreg [dreg:$0x4]  }
0x22: {  	[tilespmem:s17], [sflag:$0x3] =	stream.strided.gather [hbm4b:s1+s9], $0x4000, s10, s9, $0x38;
	[tilespmem:$0x10080] =	vst v63  }
0x23: {  	s0 =	rddreg [dreg:$0x5]  }
0x24: {  	[tilespmem:s14], [sflag:$0x4] =	stream.strided.gather [hbm4b:s0+s9], $0x4000, s10, s9, $0x38;
	[tilespmem:$0x10080] =	vst v63  }
0x25: {  	_ =	swait.ge [sflag:s16], $0x4000  }
0x26: {  	[sflag:s16] =	ssyncset.done $0x0  }
0x27: {  	s1 =	rddreg [dreg:$0x6];
	[sflag:s16] =	ssyncadd.s32 $0xFFFFC000  }
0x28: {  	[tilespmem:s2], [sflag:$0x1] =	stream.strided.gather [hbm4b:s1+s9], $0x4000, s10, s9, $0x38;
	[tilespmem:$0x10080] =	vst v63  }
0x29: {  	_ =	swait.ge [sflag:s13], $0x4000  }
0x2a: {  	[sflag:s13] =	ssyncset.done $0x0  }
0x2b: {  	s1 =	rddreg [dreg:$0x7];
	[sflag:s13] =	ssyncadd.s32 $0xFFFFC000  }
0x2c: {  	[tilespmem:s19], [sflag:$0x2] =	stream.strided.gather [hbm4b:s1+s9], $0x4000, s10, s9, $0x38;
	[tilespmem:$0x10080] =	vst v63  }
0x2d: {  	_ =	swait.ge [sflag:s11], $0x4000  }
0x2e: {  	[sflag:s11] =	ssyncset.done $0x0  }
0x2f: {  	s1 =	rddreg [dreg:$0x8];
	[sflag:s11] =	ssyncadd.s32 $0xFFFFC000  }
0x30: {  	[tilespmem:s17], [sflag:$0x3] =	stream.strided.gather [hbm4b:s1+s9], $0x4000, s10, s9, $0x38;
	[tilespmem:$0x10080] =	vst v63  }
0x31: {  	_ =	swait.ge [sflag:s7], $0x4000  }
0x32: {  	[sflag:s7] =	ssyncset.done $0x0  }
0x33: {  	s1 =	rddreg [dreg:$0x9];
	[sflag:s7] =	ssyncadd.s32 $0xFFFFC000  }
0x34: {  	[tilespmem:s14], [sflag:$0x4] =	stream.strided.gather [hbm4b:s1+s9], $0x4000, s10, s9, $0x38;
	[tilespmem:$0x10080] =	vst v63  }
0x35: {  	_ =	swait.ge [sflag:s16], $0x4000  }
0x36: {  	[sflag:s16] =	ssyncset.done $0x0  }
0x37: {  	s1 =	rddreg [dreg:$0xa];
	[sflag:s16] =	ssyncadd.s32 $0xFFFFC000  }
0x38: {  	[tilespmem:s2], [sflag:$0x1] =	stream.strided.gather [hbm4b:s1+s9], $0x4000, s10, s9, $0x38;
	[tilespmem:$0x10080] =	vst v63  }
0x39: {  	_ =	swait.ge [sflag:s13], $0x4000  }
0x3a: {  	[sflag:s13] =	ssyncset.done $0x0  }
0x3b: {  	s1 =	rddreg [dreg:$0xb];
	[sflag:s13] =	ssyncadd.s32 $0xFFFFC000  }
0x3c: {  	[tilespmem:s19], [sflag:$0x2] =	stream.strided.gather [hbm4b:s1+s9], $0x4000, s10, s9, $0x38;
	[tilespmem:$0x10080] =	vst v63  }
0x3d: {  	_ =	swait.ge [sflag:s11], $0x4000  }
0x3e: {  	[sflag:s11] =	ssyncset.done $0x0  }
0x3f: {  	s1 =	rddreg [dreg:$0xc];
	[sflag:s11] =	ssyncadd.s32 $0xFFFFC000  }
0x40: {  	[tilespmem:s17], [sflag:$0x3] =	stream.strided.gather [hbm4b:s1+s9], $0x4000, s10, s9, $0x38;
	[tilespmem:$0x10080] =	vst v63  }
0x41: {  	_ =	swait.ge [sflag:s7], $0x4000  }
0x42: {  	[sflag:s7] =	ssyncset.done $0x0  }
0x43: {  	s1 =	rddreg [dreg:$0xd];
	[sflag:s7] =	ssyncadd.s32 $0xFFFFC000  }
0x44: {  	[tilespmem:s14], [sflag:$0x4] =	stream.strided.gather [hbm4b:s1+s9], $0x4000, s10, s9, $0x38;
	[tilespmem:$0x10080] =	vst v63  }
0x45: {  	_ =	swait.ge [sflag:s16], $0x4000  }
0x46: {  	[sflag:s16] =	ssyncset.done $0x0  }
0x47: {  	s1 =	rddreg [dreg:$0xe];
	[sflag:s16] =	ssyncadd.s32 $0xFFFFC000  }
0x48: {  	[tilespmem:s2], [sflag:$0x1] =	stream.strided.gather [hbm4b:s1+s9], $0x4000, s10, s9, $0x38;
	[tilespmem:$0x10080] =	vst v63  }
0x49: {  	_ =	swait.ge [sflag:s13], $0x4000  }
0x4a: {  	[sflag:s13] =	ssyncset.done $0x0  }
0x4b: {  	s1 =	rddreg [dreg:$0xf];
	[sflag:s13] =	ssyncadd.s32 $0xFFFFC000  }
0x4c: {  	[tilespmem:s19], [sflag:$0x2] =	stream.strided.gather [hbm4b:s1+s9], $0x4000, s10, s9, $0x38;
	[tilespmem:$0x10080] =	vst v63  }
0x4d: {  	_ =	swait.ge [sflag:s11], $0x4000  }
0x4e: {  	[sflag:s11] =	ssyncset.done $0x0  }
0x4f: {  	s1 =	rddreg [dreg:$0x10];
	[sflag:s11] =	ssyncadd.s32 $0xFFFFC000  }
0x50: {  	[tilespmem:s17], [sflag:$0x3] =	stream.strided.gather [hbm4b:s1+s9], $0x4000, s10, s9, $0x38;
	[tilespmem:$0x10080] =	vst v63  }
0x51: {  	_ =	swait.ge [sflag:s7], $0x4000  }
0x52: {  	[sflag:s7] =	ssyncset.done $0x0  }
0x53: {  	s1 =	rddreg [dreg:$0x11];
	[sflag:s7] =	ssyncadd.s32 $0xFFFFC000  }
0x54: {  	[tilespmem:s14], [sflag:$0x4] =	stream.strided.gather [hbm4b:s1+s9], $0x4000, s10, s9, $0x38;
	[tilespmem:$0x10080] =	vst v63  }
0x55: {  	_ =	swait.ge [sflag:s16], $0x4000  }
0x56: {  	[sflag:s16] =	ssyncset.done $0x0  }
0x57: {  	s1 =	rddreg [dreg:$0x12];
	[sflag:s16] =	ssyncadd.s32 $0xFFFFC000  }
0x58: {  	[tilespmem:s2], [sflag:$0x1] =	stream.strided.gather [hbm4b:s1+s9], $0x4000, s10, s9, $0x38;
	[tilespmem:$0x10080] =	vst v63  }
0x59: {  	_ =	swait.ge [sflag:s13], $0x4000  }
0x5a: {  	[sflag:s13] =	ssyncset.done $0x0  }
0x5b: {  	[sflag:s13] =	ssyncadd.s32 $0xFFFFC000  }
0x5c: {  	[tilespmem:s19], [sflag:$0x2] =	stream.strided.gather [hbm4b:s30+s9], $0x4000, s10, s9, $0x38;
	[tilespmem:$0x10080] =	vst v63  }
0x5d: {  	_ =	swait.ge [sflag:s11], $0x4000  }
0x5e: {  	[sflag:s11] =	ssyncset.done $0x0  }
0x5f: {  	[sflag:s11] =	ssyncadd.s32 $0xFFFFC000  }
0x60: {  	[tilespmem:s17], [sflag:$0x3] =	stream.strided.gather [hbm4b:s29+s9], $0x4000, s10, s9, $0x38;
	[tilespmem:$0x10080] =	vst v63  }
0x61: {  	_ =	swait.ge [sflag:s7], $0x4000  }
0x62: {  	[sflag:s7] =	ssyncset.done $0x0  }
0x63: {  	[sflag:s7] =	ssyncadd.s32 $0xFFFFC000  }
0x64: {  	[tilespmem:s14], [sflag:$0x4] =	stream.strided.gather [hbm4b:s28+s9], $0x4000, s10, s9, $0x38;
	[tilespmem:$0x10080] =	vst v63  }
0x65: {  	_ =	swait.ge [sflag:s16], $0x4000  }
0x66: {  	[sflag:s16] =	ssyncset.done $0x0  }
0x67: {  	[sflag:s16] =	ssyncadd.s32 $0xFFFFC000  }
0x68: {  	[tilespmem:s2], [sflag:$0x1] =	stream.strided.gather [hbm4b:s26+s9], $0x4000, s10, s9, $0x38;
	[tilespmem:$0x10080] =	vst v63  }
0x69: {  	_ =	swait.ge [sflag:s13], $0x4000  }
0x6a: {  	[sflag:s13] =	ssyncset.done $0x0  }
0x6b: {  	[sflag:s13] =	ssyncadd.s32 $0xFFFFC000  }
0x6c: {  	[tilespmem:s19], [sflag:$0x2] =	stream.strided.gather [hbm4b:s25+s9], $0x4000, s10, s9, $0x38;
	[tilespmem:$0x10080] =	vst v63  }
0x6d: {  	_ =	swait.ge [sflag:s11], $0x4000  }
0x6e: {  	[sflag:s11] =	ssyncset.done $0x0  }
0x6f: {  	[sflag:s11] =	ssyncadd.s32 $0xFFFFC000  }
0x70: {  	[tilespmem:s17], [sflag:$0x3] =	stream.strided.gather [hbm4b:s24+s9], $0x4000, s10, s9, $0x38;
	[tilespmem:$0x10080] =	vst v63  }
0x71: {  	_ =	swait.ge [sflag:s7], $0x4000  }
0x72: {  	[sflag:s7] =	ssyncset.done $0x0  }
0x73: {  	[sflag:s7] =	ssyncadd.s32 $0xFFFFC000  }
0x74: {  	[tilespmem:s14], [sflag:$0x4] =	stream.strided.gather [hbm4b:s23+s9], $0x4000, s10, s9, $0x38;
	[tilespmem:$0x10080] =	vst v63  }
0x75: {  	_ =	swait.ge [sflag:s16], $0x4000  }
0x76: {  	[sflag:s16] =	ssyncset.done $0x0  }
0x77: {  	[sflag:s16] =	ssyncadd.s32 $0xFFFFC000  }
0x78: {  	[tilespmem:s2], [sflag:$0x1] =	stream.strided.gather [hbm4b:s22+s9], $0x4000, s10, s9, $0x38;
	[tilespmem:$0x10080] =	vst v63  }
0x79: {  	_ =	swait.ge [sflag:s13], $0x4000  }
0x7a: {  	[sflag:s13] =	ssyncset.done $0x0  }
0x7b: {  	[sflag:s13] =	ssyncadd.s32 $0xFFFFC000  }
0x7c: {  	[tilespmem:s19], [sflag:$0x2] =	stream.strided.gather [hbm4b:s21+s9], $0x4000, s10, s9, $0x38;
	[tilespmem:$0x10080] =	vst v63  }
0x7d: {  	_ =	swait.ge [sflag:s11], $0x4000  }
0x7e: {  	[sflag:s11] =	ssyncset.done $0x0  }
0x7f: {  	[sflag:s11] =	ssyncadd.s32 $0xFFFFC000  }
0x80: {  	[tilespmem:s17], [sflag:$0x3] =	stream.strided.gather [hbm4b:s20+s9], $0x4000, s10, s9, $0x38;
	[tilespmem:$0x10080] =	vst v63  }
0x81: {  	_ =	swait.ge [sflag:s7], $0x4000  }
0x82: {  	[sflag:s7] =	ssyncset.done $0x0  }
0x83: {  	[sflag:s7] =	ssyncadd.s32 $0xFFFFC000  }
0x84: {  	[tilespmem:s14], [sflag:$0x4] =	stream.strided.gather [hbm4b:s18+s9], $0x4000, s10, s9, $0x38;
	[tilespmem:$0x10080] =	vst v63  }
0x85: {  	_ =	swait.ge [sflag:s16], $0x4000  }
0x86: {  	[sflag:s16] =	ssyncset.done $0x0  }
0x87: {  	[sflag:s16] =	ssyncadd.s32 $0xFFFFC000  }
0x88: {  	[tilespmem:s2], [sflag:$0x1] =	stream.strided.gather [hbm4b:s15+s9], $0x4000, s10, s9, $0x38;
	[tilespmem:$0x10080] =	vst v63  }
0x89: {  	_ =	swait.ge [sflag:s13], $0x4000  }
0x8a: {  	[sflag:s13] =	ssyncset.done $0x0  }
0x8b: {  	[sflag:s13] =	ssyncadd.s32 $0xFFFFC000  }
0x8c: {  	[tilespmem:s19], [sflag:$0x2] =	stream.strided.gather [hbm4b:s12+s9], $0x4000, s10, s9, $0x38;
	[tilespmem:$0x10080] =	vst v63  }
0x8d: {  	_ =	swait.ge [sflag:s11], $0x4000  }
0x8e: {  	[sflag:s11] =	ssyncset.done $0x0  }
0x8f: {  	[sflag:s11] =	ssyncadd.s32 $0xFFFFC000  }
0x90: {  	[tilespmem:s17], [sflag:$0x3] =	stream.strided.gather [hbm4b:s8+s9], $0x4000, s10, s9, $0x38;
	[tilespmem:$0x10080] =	vst v63  }
0x91: {  	_ =	swait.ge [sflag:s7], $0x4000  }
0x92: {  	[sflag:s7] =	ssyncset.done $0x0  }
0x93: {  	[sflag:s7] =	ssyncadd.s32 $0xFFFFC000  }
0x94: {  	[tilespmem:s14], [sflag:$0x4] =	stream.strided.gather [hbm4b:s5+s9], $0x4000, s10, s9, $0x38;
	[tilespmem:$0x10080] =	vst v63  }
0x95: {  	_ =	swait.ge [sflag:s16], $0x4000  }
0x96: {  	[sflag:s16] =	ssyncset.done $0x0  }
0x97: {  	[sflag:s16] =	ssyncadd.s32 $0xFFFFC000  }
0x98: {  	_ =	swait.ge [sflag:s13], $0x4000  }
0x99: {  	[sflag:s13] =	ssyncset.done $0x0  }
0x9a: {  	[sflag:s13] =	ssyncadd.s32 $0xFFFFC000  }
0x9b: {  	_ =	swait.ge [sflag:s11], $0x4000  }
0x9c: {  	[sflag:s11] =	ssyncset.done $0x0  }
0x9d: {  	[sflag:s11] =	ssyncadd.s32 $0xFFFFC000  }
0x9e: {  	_ =	swait.ge [sflag:s7], $0x4000  }
0x9f: {  	[sflag:s7] =	ssyncset.done $0x0  }
0xa0: {  	[sflag:s7] =	ssyncadd.s32 $0xFFFFC000  }
0xa1: {  	v0 =	vld [tilespmem:$0x0];
	_ =	sdelay $0x1  }
0xa2: {  	s1 =	rddreg [dreg:$0x13]  }
0xa3: {  	p1 =	sne.s32 s1, $0x1  }
.Ltmp1:
0xa4: {  	_ = 	snop;
	(pc) =	sbr.rel @!p1 .LBB2_3-.Ltmp1, $4  }
0xa5: {  	[tilespmem:$0x10000] =	vst v0  }
0xa6: {  	[hbm4b:s3+s2] =	stream.linear.scatter [tilespmem:s6], [sflag:$0x5], $0x10, $0x38;
	[tilespmem:$0x10080] =	vst v63  }
0xa7: {  	_ =	swait.ge [sflag:s4], $0x10  }
0xa8: {  	p0 =	por $0x1, $0x1;
	s1 =	sadd.s32 $0xFFFFFFFF, s1;
	[sflag:s4] =	ssyncset.done $0x0  }
.LBB2_2:
0xa9: {  	[sflag:s4] =	ssyncadd.s32 $0xFFFFFFF0  }
0xaa: {  	[tilespmem:s2], [sflag:$0x1] =	stream.strided.gather [hbm4b:s31+s9], $0x4000, s10, s9, $0x38;
	[tilespmem:$0x10080] =	vst v63  }
0xab: {  	s0 =	rddreg [dreg:$0x3]  }
0xac: {  	[tilespmem:s19], [sflag:$0x2] =	stream.strided.gather [hbm4b:s0+s9], $0x4000, s10, s9, $0x38;
	[tilespmem:$0x10080] =	vst v63  }
0xad: {  	s6 =	rddreg [dreg:$0x4]  }
0xae: {  	[tilespmem:s17], [sflag:$0x3] =	stream.strided.gather [hbm4b:s6+s9], $0x4000, s10, s9, $0x38;
	[tilespmem:$0x10080] =	vst v63  }
0xaf: {  	s0 =	rddreg [dreg:$0x5]  }
0xb0: {  	[tilespmem:s14], [sflag:$0x4] =	stream.strided.gather [hbm4b:s0+s9], $0x4000, s10, s9, $0x38;
	[tilespmem:$0x10080] =	vst v63  }
0xb1: {  	_ =	swait.ge [sflag:s16], $0x4000  }
0xb2: {  	[sflag:s16] =	ssyncset.done $0x0  }
0xb3: {  	s0 =	rddreg [dreg:$0x6];
	[sflag:s16] =	ssyncadd.s32 $0xFFFFC000  }
0xb4: {  	[tilespmem:s2], [sflag:$0x1] =	stream.strided.gather [hbm4b:s0+s9], $0x4000, s10, s9, $0x38;
	[tilespmem:$0x10080] =	vst v63  }
0xb5: {  	_ =	swait.ge [sflag:s13], $0x4000  }
0xb6: {  	[sflag:s13] =	ssyncset.done $0x0  }
0xb7: {  	s0 =	rddreg [dreg:$0x7];
	[sflag:s13] =	ssyncadd.s32 $0xFFFFC000  }
0xb8: {  	[tilespmem:s19], [sflag:$0x2] =	stream.strided.gather [hbm4b:s0+s9], $0x4000, s10, s9, $0x38;
	[tilespmem:$0x10080] =	vst v63  }
0xb9: {  	_ =	swait.ge [sflag:s11], $0x4000  }
0xba: {  	[sflag:s11] =	ssyncset.done $0x0  }
0xbb: {  	s0 =	rddreg [dreg:$0x8];
	[sflag:s11] =	ssyncadd.s32 $0xFFFFC000  }
0xbc: {  	[tilespmem:s17], [sflag:$0x3] =	stream.strided.gather [hbm4b:s0+s9], $0x4000, s10, s9, $0x38;
	[tilespmem:$0x10080] =	vst v63  }
0xbd: {  	_ =	swait.ge [sflag:s7], $0x4000  }
0xbe: {  	[sflag:s7] =	ssyncset.done $0x0  }
0xbf: {  	s0 =	rddreg [dreg:$0x9];
	[sflag:s7] =	ssyncadd.s32 $0xFFFFC000  }
0xc0: {  	[tilespmem:s14], [sflag:$0x4] =	stream.strided.gather [hbm4b:s0+s9], $0x4000, s10, s9, $0x38;
	[tilespmem:$0x10080] =	vst v63  }
0xc1: {  	_ =	swait.ge [sflag:s16], $0x4000  }
0xc2: {  	[sflag:s16] =	ssyncset.done $0x0  }
0xc3: {  	s0 =	rddreg [dreg:$0xa];
	[sflag:s16] =	ssyncadd.s32 $0xFFFFC000  }
0xc4: {  	[tilespmem:s2], [sflag:$0x1] =	stream.strided.gather [hbm4b:s0+s9], $0x4000, s10, s9, $0x38;
	[tilespmem:$0x10080] =	vst v63  }
0xc5: {  	_ =	swait.ge [sflag:s13], $0x4000  }
0xc6: {  	[sflag:s13] =	ssyncset.done $0x0  }
0xc7: {  	s0 =	rddreg [dreg:$0xb];
	[sflag:s13] =	ssyncadd.s32 $0xFFFFC000  }
0xc8: {  	[tilespmem:s19], [sflag:$0x2] =	stream.strided.gather [hbm4b:s0+s9], $0x4000, s10, s9, $0x38;
	[tilespmem:$0x10080] =	vst v63  }
0xc9: {  	_ =	swait.ge [sflag:s11], $0x4000  }
0xca: {  	[sflag:s11] =	ssyncset.done $0x0  }
0xcb: {  	s0 =	rddreg [dreg:$0xc];
	[sflag:s11] =	ssyncadd.s32 $0xFFFFC000  }
0xcc: {  	[tilespmem:s17], [sflag:$0x3] =	stream.strided.gather [hbm4b:s0+s9], $0x4000, s10, s9, $0x38;
	[tilespmem:$0x10080] =	vst v63  }
0xcd: {  	_ =	swait.ge [sflag:s7], $0x4000  }
0xce: {  	[sflag:s7] =	ssyncset.done $0x0  }
0xcf: {  	s0 =	rddreg [dreg:$0xd];
	[sflag:s7] =	ssyncadd.s32 $0xFFFFC000  }
0xd0: {  	[tilespmem:s14], [sflag:$0x4] =	stream.strided.gather [hbm4b:s0+s9], $0x4000, s10, s9, $0x38;
	[tilespmem:$0x10080] =	vst v63  }
0xd1: {  	_ =	swait.ge [sflag:s16], $0x4000  }
0xd2: {  	[sflag:s16] =	ssyncset.done $0x0  }
0xd3: {  	s0 =	rddreg [dreg:$0xe];
	[sflag:s16] =	ssyncadd.s32 $0xFFFFC000  }
0xd4: {  	[tilespmem:s2], [sflag:$0x1] =	stream.strided.gather [hbm4b:s0+s9], $0x4000, s10, s9, $0x38;
	[tilespmem:$0x10080] =	vst v63  }
0xd5: {  	_ =	swait.ge [sflag:s13], $0x4000  }
0xd6: {  	[sflag:s13] =	ssyncset.done $0x0  }
0xd7: {  	s0 =	rddreg [dreg:$0xf];
	[sflag:s13] =	ssyncadd.s32 $0xFFFFC000  }
0xd8: {  	[tilespmem:s19], [sflag:$0x2] =	stream.strided.gather [hbm4b:s0+s9], $0x4000, s10, s9, $0x38;
	[tilespmem:$0x10080] =	vst v63  }
0xd9: {  	_ =	swait.ge [sflag:s11], $0x4000  }
0xda: {  	[sflag:s11] =	ssyncset.done $0x0  }
0xdb: {  	s0 =	rddreg [dreg:$0x10];
	[sflag:s11] =	ssyncadd.s32 $0xFFFFC000  }
0xdc: {  	[tilespmem:s17], [sflag:$0x3] =	stream.strided.gather [hbm4b:s0+s9], $0x4000, s10, s9, $0x38;
	[tilespmem:$0x10080] =	vst v63  }
0xdd: {  	_ =	swait.ge [sflag:s7], $0x4000  }
0xde: {  	[sflag:s7] =	ssyncset.done $0x0  }
0xdf: {  	s0 =	rddreg [dreg:$0x11];
	[sflag:s7] =	ssyncadd.s32 $0xFFFFC000  }
0xe0: {  	[tilespmem:s14], [sflag:$0x4] =	stream.strided.gather [hbm4b:s0+s9], $0x4000, s10, s9, $0x38;
	[tilespmem:$0x10080] =	vst v63  }
0xe1: {  	_ =	swait.ge [sflag:s16], $0x4000  }
0xe2: {  	[sflag:s16] =	ssyncset.done $0x0  }
0xe3: {  	s0 =	rddreg [dreg:$0x12];
	[sflag:s16] =	ssyncadd.s32 $0xFFFFC000  }
0xe4: {  	[tilespmem:s2], [sflag:$0x1] =	stream.strided.gather [hbm4b:s0+s9], $0x4000, s10, s9, $0x38;
	[tilespmem:$0x10080] =	vst v63  }
0xe5: {  	_ =	swait.ge [sflag:s13], $0x4000  }
0xe6: {  	[sflag:s13] =	ssyncset.done $0x0  }
0xe7: {  	[sflag:s13] =	ssyncadd.s32 $0xFFFFC000  }
0xe8: {  	[tilespmem:s19], [sflag:$0x2] =	stream.strided.gather [hbm4b:s30+s9], $0x4000, s10, s9, $0x38;
	[tilespmem:$0x10080] =	vst v63  }
0xe9: {  	_ =	swait.ge [sflag:s11], $0x4000  }
0xea: {  	[sflag:s11] =	ssyncset.done $0x0  }
0xeb: {  	[sflag:s11] =	ssyncadd.s32 $0xFFFFC000  }
0xec: {  	[tilespmem:s17], [sflag:$0x3] =	stream.strided.gather [hbm4b:s29+s9], $0x4000, s10, s9, $0x38;
	[tilespmem:$0x10080] =	vst v63  }
0xed: {  	_ =	swait.ge [sflag:s7], $0x4000  }
0xee: {  	[sflag:s7] =	ssyncset.done $0x0  }
0xef: {  	[sflag:s7] =	ssyncadd.s32 $0xFFFFC000  }
0xf0: {  	[tilespmem:s14], [sflag:$0x4] =	stream.strided.gather [hbm4b:s28+s9], $0x4000, s10, s9, $0x38;
	[tilespmem:$0x10080] =	vst v63  }
0xf1: {  	_ =	swait.ge [sflag:s16], $0x4000  }
0xf2: {  	[sflag:s16] =	ssyncset.done $0x0  }
0xf3: {  	[sflag:s16] =	ssyncadd.s32 $0xFFFFC000  }
0xf4: {  	[tilespmem:s2], [sflag:$0x1] =	stream.strided.gather [hbm4b:s26+s9], $0x4000, s10, s9, $0x38;
	[tilespmem:$0x10080] =	vst v63  }
0xf5: {  	_ =	swait.ge [sflag:s13], $0x4000  }
0xf6: {  	[sflag:s13] =	ssyncset.done $0x0  }
0xf7: {  	[sflag:s13] =	ssyncadd.s32 $0xFFFFC000  }
0xf8: {  	[tilespmem:s19], [sflag:$0x2] =	stream.strided.gather [hbm4b:s25+s9], $0x4000, s10, s9, $0x38;
	[tilespmem:$0x10080] =	vst v63  }
0xf9: {  	_ =	swait.ge [sflag:s11], $0x4000  }
0xfa: {  	[sflag:s11] =	ssyncset.done $0x0  }
0xfb: {  	[sflag:s11] =	ssyncadd.s32 $0xFFFFC000  }
0xfc: {  	[tilespmem:s17], [sflag:$0x3] =	stream.strided.gather [hbm4b:s24+s9], $0x4000, s10, s9, $0x38;
	[tilespmem:$0x10080] =	vst v63  }
0xfd: {  	_ =	swait.ge [sflag:s7], $0x4000  }
0xfe: {  	[sflag:s7] =	ssyncset.done $0x0  }
0xff: {  	[sflag:s7] =	ssyncadd.s32 $0xFFFFC000  }
0x100: {  	[tilespmem:s14], [sflag:$0x4] =	stream.strided.gather [hbm4b:s23+s9], $0x4000, s10, s9, $0x38;
	[tilespmem:$0x10080] =	vst v63  }
0x101: {  	_ =	swait.ge [sflag:s16], $0x4000  }
0x102: {  	[sflag:s16] =	ssyncset.done $0x0  }
0x103: {  	[sflag:s16] =	ssyncadd.s32 $0xFFFFC000  }
0x104: {  	[tilespmem:s2], [sflag:$0x1] =	stream.strided.gather [hbm4b:s22+s9], $0x4000, s10, s9, $0x38;
	[tilespmem:$0x10080] =	vst v63  }
0x105: {  	_ =	swait.ge [sflag:s13], $0x4000  }
0x106: {  	[sflag:s13] =	ssyncset.done $0x0  }
0x107: {  	[sflag:s13] =	ssyncadd.s32 $0xFFFFC000  }
0x108: {  	[tilespmem:s19], [sflag:$0x2] =	stream.strided.gather [hbm4b:s21+s9], $0x4000, s10, s9, $0x38;
	[tilespmem:$0x10080] =	vst v63  }
0x109: {  	_ =	swait.ge [sflag:s11], $0x4000  }
0x10a: {  	[sflag:s11] =	ssyncset.done $0x0  }
0x10b: {  	[sflag:s11] =	ssyncadd.s32 $0xFFFFC000  }
0x10c: {  	[tilespmem:s17], [sflag:$0x3] =	stream.strided.gather [hbm4b:s20+s9], $0x4000, s10, s9, $0x38;
	[tilespmem:$0x10080] =	vst v63  }
0x10d: {  	_ =	swait.ge [sflag:s7], $0x4000  }
0x10e: {  	[sflag:s7] =	ssyncset.done $0x0  }
0x10f: {  	[sflag:s7] =	ssyncadd.s32 $0xFFFFC000  }
0x110: {  	[tilespmem:s14], [sflag:$0x4] =	stream.strided.gather [hbm4b:s18+s9], $0x4000, s10, s9, $0x38;
	[tilespmem:$0x10080] =	vst v63  }
0x111: {  	_ =	swait.ge [sflag:s16], $0x4000  }
0x112: {  	[sflag:s16] =	ssyncset.done $0x0  }
0x113: {  	[sflag:s16] =	ssyncadd.s32 $0xFFFFC000  }
0x114: {  	[tilespmem:s2], [sflag:$0x1] =	stream.strided.gather [hbm4b:s15+s9], $0x4000, s10, s9, $0x38;
	[tilespmem:$0x10080] =	vst v63  }
0x115: {  	_ =	swait.ge [sflag:s13], $0x4000  }
0x116: {  	[sflag:s13] =	ssyncset.done $0x0  }
0x117: {  	[sflag:s13] =	ssyncadd.s32 $0xFFFFC000  }
0x118: {  	[tilespmem:s19], [sflag:$0x2] =	stream.strided.gather [hbm4b:s12+s9], $0x4000, s10, s9, $0x38;
	[tilespmem:$0x10080] =	vst v63  }
0x119: {  	_ =	swait.ge [sflag:s11], $0x4000  }
0x11a: {  	[sflag:s11] =	ssyncset.done $0x0  }
0x11b: {  	[sflag:s11] =	ssyncadd.s32 $0xFFFFC000  }
0x11c: {  	[tilespmem:s17], [sflag:$0x3] =	stream.strided.gather [hbm4b:s8+s9], $0x4000, s10, s9, $0x38;
	[tilespmem:$0x10080] =	vst v63  }
0x11d: {  	_ =	swait.ge [sflag:s7], $0x4000  }
0x11e: {  	[sflag:s7] =	ssyncset.done $0x0  }
0x11f: {  	[sflag:s7] =	ssyncadd.s32 $0xFFFFC000  }
0x120: {  	[tilespmem:s14], [sflag:$0x4] =	stream.strided.gather [hbm4b:s5+s9], $0x4000, s10, s9, $0x38;
	[tilespmem:$0x10080] =	vst v63  }
0x121: {  	_ =	swait.ge [sflag:s16], $0x4000  }
0x122: {  	[sflag:s16] =	ssyncset.done $0x0  }
0x123: {  	[sflag:s16] =	ssyncadd.s32 $0xFFFFC000  }
0x124: {  	_ =	swait.ge [sflag:s13], $0x4000  }
0x125: {  	[sflag:s13] =	ssyncset.done $0x0  }
0x126: {  	[sflag:s13] =	ssyncadd.s32 $0xFFFFC000  }
0x127: {  	_ =	swait.ge [sflag:s11], $0x4000  }
0x128: {  	[sflag:s11] =	ssyncset.done $0x0  }
0x129: {  	[sflag:s11] =	ssyncadd.s32 $0xFFFFC000  }
0x12a: {  	_ =	swait.ge [sflag:s7], $0x4000  }
0x12b: {  	[sflag:s7] =	ssyncset.done $0x0  }
0x12c: {  	[sflag:s7] =	ssyncadd.s32 $0xFFFFC000  }
0x12d: {  	v0 =	vld [tilespmem:$0x0];
	_ =	sdelay $0x2  }
0x12e: {  	p1 =	sne.s32 s1, $0x1  }
.Ltmp2:
0x12f: {  	_ = 	snop;
	(pc) =	sbr.rel @p1 .LBB2_2-.Ltmp2, $4  }
0x130: {  	s6 =	simm.s32 $0x10000;
	[tilespmem:$0x10000] =	vst v0  }
0x131: {  	[hbm4b:s3+s2] =	stream.linear.scatter [tilespmem:s6], [sflag:$0x5], $0x10, $0x38;
	[tilespmem:$0x10080] =	vst v63  }
0x132: {  	_ =	swait.ge [sflag:s4], $0x10  }
0x133: {  	s1 =	sadd.s32 $0xFFFFFFFF, s1;
	[sflag:s4] =	ssyncset.done $0x0  }
.LBB2_3:
0x134: {  	[sflag:s4] =	ssyncadd.s32 @p0 $0xFFFFFFF0  }
0x135: {  	[tilespmem:s2], [sflag:$0x1] =	stream.strided.gather [hbm4b:s31+s9], $0x4000, s10, s9, $0x38;
	[tilespmem:$0x10080] =	vst v63  }
0x136: {  	s0 =	rddreg [dreg:$0x3]  }
0x137: {  	[tilespmem:s19], [sflag:$0x2] =	stream.strided.gather [hbm4b:s0+s9], $0x4000, s10, s9, $0x38;
	[tilespmem:$0x10080] =	vst v63  }
0x138: {  	s1 =	rddreg [dreg:$0x4]  }
0x139: {  	[tilespmem:s17], [sflag:$0x3] =	stream.strided.gather [hbm4b:s1+s9], $0x4000, s10, s9, $0x38;
	[tilespmem:$0x10080] =	vst v63  }
0x13a: {  	s31 =	rddreg [dreg:$0x5]  }
0x13b: {  	[tilespmem:s14], [sflag:$0x4] =	stream.strided.gather [hbm4b:s31+s9], $0x4000, s10, s9, $0x38;
	[tilespmem:$0x10080] =	vst v63  }
0x13c: {  	_ =	swait.ge [sflag:s16], $0x4000  }
0x13d: {  	[sflag:s16] =	ssyncset.done $0x0  }
0x13e: {  	s1 =	rddreg [dreg:$0x6];
	[sflag:s16] =	ssyncadd.s32 $0xFFFFC000  }
0x13f: {  	[tilespmem:s2], [sflag:$0x1] =	stream.strided.gather [hbm4b:s1+s9], $0x4000, s10, s9, $0x38;
	[tilespmem:$0x10080] =	vst v63  }
0x140: {  	_ =	swait.ge [sflag:s13], $0x4000  }
0x141: {  	[sflag:s13] =	ssyncset.done $0x0  }
0x142: {  	s31 =	rddreg [dreg:$0x7];
	[sflag:s13] =	ssyncadd.s32 $0xFFFFC000  }
0x143: {  	[tilespmem:s19], [sflag:$0x2] =	stream.strided.gather [hbm4b:s31+s9], $0x4000, s10, s9, $0x38;
	[tilespmem:$0x10080] =	vst v63  }
0x144: {  	_ =	swait.ge [sflag:s11], $0x4000  }
0x145: {  	[sflag:s11] =	ssyncset.done $0x0  }
0x146: {  	s1 =	rddreg [dreg:$0x8];
	[sflag:s11] =	ssyncadd.s32 $0xFFFFC000  }
0x147: {  	[tilespmem:s17], [sflag:$0x3] =	stream.strided.gather [hbm4b:s1+s9], $0x4000, s10, s9, $0x38;
	[tilespmem:$0x10080] =	vst v63  }
0x148: {  	_ =	swait.ge [sflag:s7], $0x4000  }
0x149: {  	[sflag:s7] =	ssyncset.done $0x0  }
0x14a: {  	s31 =	rddreg [dreg:$0x9];
	[sflag:s7] =	ssyncadd.s32 $0xFFFFC000  }
0x14b: {  	[tilespmem:s14], [sflag:$0x4] =	stream.strided.gather [hbm4b:s31+s9], $0x4000, s10, s9, $0x38;
	[tilespmem:$0x10080] =	vst v63  }
0x14c: {  	_ =	swait.ge [sflag:s16], $0x4000  }
0x14d: {  	[sflag:s16] =	ssyncset.done $0x0  }
0x14e: {  	s1 =	rddreg [dreg:$0xa];
	[sflag:s16] =	ssyncadd.s32 $0xFFFFC000  }
0x14f: {  	[tilespmem:s2], [sflag:$0x1] =	stream.strided.gather [hbm4b:s1+s9], $0x4000, s10, s9, $0x38;
	[tilespmem:$0x10080] =	vst v63  }
0x150: {  	_ =	swait.ge [sflag:s13], $0x4000  }
0x151: {  	[sflag:s13] =	ssyncset.done $0x0  }
0x152: {  	s31 =	rddreg [dreg:$0xb];
	[sflag:s13] =	ssyncadd.s32 $0xFFFFC000  }
0x153: {  	[tilespmem:s19], [sflag:$0x2] =	stream.strided.gather [hbm4b:s31+s9], $0x4000, s10, s9, $0x38;
	[tilespmem:$0x10080] =	vst v63  }
0x154: {  	_ =	swait.ge [sflag:s11], $0x4000  }
0x155: {  	[sflag:s11] =	ssyncset.done $0x0  }
0x156: {  	s1 =	rddreg [dreg:$0xc];
	[sflag:s11] =	ssyncadd.s32 $0xFFFFC000  }
0x157: {  	[tilespmem:s17], [sflag:$0x3] =	stream.strided.gather [hbm4b:s1+s9], $0x4000, s10, s9, $0x38;
	[tilespmem:$0x10080] =	vst v63  }
0x158: {  	_ =	swait.ge [sflag:s7], $0x4000  }
0x159: {  	[sflag:s7] =	ssyncset.done $0x0  }
0x15a: {  	s31 =	rddreg [dreg:$0xd];
	[sflag:s7] =	ssyncadd.s32 $0xFFFFC000  }
0x15b: {  	[tilespmem:s14], [sflag:$0x4] =	stream.strided.gather [hbm4b:s31+s9], $0x4000, s10, s9, $0x38;
	[tilespmem:$0x10080] =	vst v63  }
0x15c: {  	_ =	swait.ge [sflag:s16], $0x4000  }
0x15d: {  	[sflag:s16] =	ssyncset.done $0x0  }
0x15e: {  	s1 =	rddreg [dreg:$0xe];
	[sflag:s16] =	ssyncadd.s32 $0xFFFFC000  }
0x15f: {  	[tilespmem:s2], [sflag:$0x1] =	stream.strided.gather [hbm4b:s1+s9], $0x4000, s10, s9, $0x38;
	[tilespmem:$0x10080] =	vst v63  }
0x160: {  	_ =	swait.ge [sflag:s13], $0x4000  }
0x161: {  	[sflag:s13] =	ssyncset.done $0x0  }
0x162: {  	s31 =	rddreg [dreg:$0xf];
	[sflag:s13] =	ssyncadd.s32 $0xFFFFC000  }
0x163: {  	[tilespmem:s19], [sflag:$0x2] =	stream.strided.gather [hbm4b:s31+s9], $0x4000, s10, s9, $0x38;
	[tilespmem:$0x10080] =	vst v63  }
0x164: {  	_ =	swait.ge [sflag:s11], $0x4000  }
0x165: {  	[sflag:s11] =	ssyncset.done $0x0  }
0x166: {  	s1 =	rddreg [dreg:$0x10];
	[sflag:s11] =	ssyncadd.s32 $0xFFFFC000  }
0x167: {  	[tilespmem:s17], [sflag:$0x3] =	stream.strided.gather [hbm4b:s1+s9], $0x4000, s10, s9, $0x38;
	[tilespmem:$0x10080] =	vst v63  }
0x168: {  	_ =	swait.ge [sflag:s7], $0x4000  }
0x169: {  	[sflag:s7] =	ssyncset.done $0x0  }
0x16a: {  	s31 =	rddreg [dreg:$0x11];
	[sflag:s7] =	ssyncadd.s32 $0xFFFFC000  }
0x16b: {  	[tilespmem:s14], [sflag:$0x4] =	stream.strided.gather [hbm4b:s31+s9], $0x4000, s10, s9, $0x38;
	[tilespmem:$0x10080] =	vst v63  }
0x16c: {  	_ =	swait.ge [sflag:s16], $0x4000  }
0x16d: {  	[sflag:s16] =	ssyncset.done $0x0  }
0x16e: {  	s1 =	rddreg [dreg:$0x12];
	[sflag:s16] =	ssyncadd.s32 $0xFFFFC000  }
0x16f: {  	[tilespmem:s2], [sflag:$0x1] =	stream.strided.gather [hbm4b:s1+s9], $0x4000, s10, s9, $0x38;
	[tilespmem:$0x10080] =	vst v63  }
0x170: {  	_ =	swait.ge [sflag:s13], $0x4000  }
0x171: {  	[sflag:s13] =	ssyncset.done $0x0  }
0x172: {  	[sflag:s13] =	ssyncadd.s32 $0xFFFFC000  }
0x173: {  	[tilespmem:s19], [sflag:$0x2] =	stream.strided.gather [hbm4b:s30+s9], $0x4000, s10, s9, $0x38;
	[tilespmem:$0x10080] =	vst v63  }
0x174: {  	_ =	swait.ge [sflag:s11], $0x4000  }
0x175: {  	[sflag:s11] =	ssyncset.done $0x0  }
0x176: {  	[sflag:s11] =	ssyncadd.s32 $0xFFFFC000  }
0x177: {  	[tilespmem:s17], [sflag:$0x3] =	stream.strided.gather [hbm4b:s29+s9], $0x4000, s10, s9, $0x38;
	[tilespmem:$0x10080] =	vst v63  }
0x178: {  	_ =	swait.ge [sflag:s7], $0x4000  }
0x179: {  	[sflag:s7] =	ssyncset.done $0x0  }
0x17a: {  	[sflag:s7] =	ssyncadd.s32 $0xFFFFC000  }
0x17b: {  	[tilespmem:s14], [sflag:$0x4] =	stream.strided.gather [hbm4b:s28+s9], $0x4000, s10, s9, $0x38;
	[tilespmem:$0x10080] =	vst v63  }
0x17c: {  	_ =	swait.ge [sflag:s16], $0x4000  }
0x17d: {  	[sflag:s16] =	ssyncset.done $0x0  }
0x17e: {  	[sflag:s16] =	ssyncadd.s32 $0xFFFFC000  }
0x17f: {  	[tilespmem:s2], [sflag:$0x1] =	stream.strided.gather [hbm4b:s26+s9], $0x4000, s10, s9, $0x38;
	[tilespmem:$0x10080] =	vst v63  }
0x180: {  	_ =	swait.ge [sflag:s13], $0x4000  }
0x181: {  	[sflag:s13] =	ssyncset.done $0x0  }
0x182: {  	[sflag:s13] =	ssyncadd.s32 $0xFFFFC000  }
0x183: {  	[tilespmem:s19], [sflag:$0x2] =	stream.strided.gather [hbm4b:s25+s9], $0x4000, s10, s9, $0x38;
	[tilespmem:$0x10080] =	vst v63  }
0x184: {  	_ =	swait.ge [sflag:s11], $0x4000  }
0x185: {  	[sflag:s11] =	ssyncset.done $0x0  }
0x186: {  	[sflag:s11] =	ssyncadd.s32 $0xFFFFC000  }
0x187: {  	[tilespmem:s17], [sflag:$0x3] =	stream.strided.gather [hbm4b:s24+s9], $0x4000, s10, s9, $0x38;
	[tilespmem:$0x10080] =	vst v63  }
0x188: {  	_ =	swait.ge [sflag:s7], $0x4000  }
0x189: {  	[sflag:s7] =	ssyncset.done $0x0  }
0x18a: {  	[sflag:s7] =	ssyncadd.s32 $0xFFFFC000  }
0x18b: {  	[tilespmem:s14], [sflag:$0x4] =	stream.strided.gather [hbm4b:s23+s9], $0x4000, s10, s9, $0x38;
	[tilespmem:$0x10080] =	vst v63  }
0x18c: {  	_ =	swait.ge [sflag:s16], $0x4000  }
0x18d: {  	[sflag:s16] =	ssyncset.done $0x0  }
0x18e: {  	[sflag:s16] =	ssyncadd.s32 $0xFFFFC000  }
0x18f: {  	[tilespmem:s2], [sflag:$0x1] =	stream.strided.gather [hbm4b:s22+s9], $0x4000, s10, s9, $0x38;
	[tilespmem:$0x10080] =	vst v63  }
0x190: {  	_ =	swait.ge [sflag:s13], $0x4000  }
0x191: {  	[sflag:s13] =	ssyncset.done $0x0  }
0x192: {  	[sflag:s13] =	ssyncadd.s32 $0xFFFFC000  }
0x193: {  	[tilespmem:s19], [sflag:$0x2] =	stream.strided.gather [hbm4b:s21+s9], $0x4000, s10, s9, $0x38;
	[tilespmem:$0x10080] =	vst v63  }
0x194: {  	_ =	swait.ge [sflag:s11], $0x4000  }
0x195: {  	[sflag:s11] =	ssyncset.done $0x0  }
0x196: {  	[sflag:s11] =	ssyncadd.s32 $0xFFFFC000  }
0x197: {  	[tilespmem:s17], [sflag:$0x3] =	stream.strided.gather [hbm4b:s20+s9], $0x4000, s10, s9, $0x38;
	[tilespmem:$0x10080] =	vst v63  }
0x198: {  	_ =	swait.ge [sflag:s7], $0x4000  }
0x199: {  	[sflag:s7] =	ssyncset.done $0x0  }
0x19a: {  	[sflag:s7] =	ssyncadd.s32 $0xFFFFC000  }
0x19b: {  	[tilespmem:s14], [sflag:$0x4] =	stream.strided.gather [hbm4b:s18+s9], $0x4000, s10, s9, $0x38;
	[tilespmem:$0x10080] =	vst v63  }
0x19c: {  	_ =	swait.ge [sflag:s16], $0x4000  }
0x19d: {  	[sflag:s16] =	ssyncset.done $0x0  }
0x19e: {  	[sflag:s16] =	ssyncadd.s32 $0xFFFFC000  }
0x19f: {  	[tilespmem:s2], [sflag:$0x1] =	stream.strided.gather [hbm4b:s15+s9], $0x4000, s10, s9, $0x38;
	[tilespmem:$0x10080] =	vst v63  }
0x1a0: {  	_ =	swait.ge [sflag:s13], $0x4000  }
0x1a1: {  	[sflag:s13] =	ssyncset.done $0x0  }
0x1a2: {  	[sflag:s13] =	ssyncadd.s32 $0xFFFFC000  }
0x1a3: {  	[tilespmem:s19], [sflag:$0x2] =	stream.strided.gather [hbm4b:s12+s9], $0x4000, s10, s9, $0x38;
	[tilespmem:$0x10080] =	vst v63  }
0x1a4: {  	_ =	swait.ge [sflag:s11], $0x4000  }
0x1a5: {  	[sflag:s11] =	ssyncset.done $0x0  }
0x1a6: {  	[sflag:s11] =	ssyncadd.s32 $0xFFFFC000  }
0x1a7: {  	[tilespmem:s17], [sflag:$0x3] =	stream.strided.gather [hbm4b:s8+s9], $0x4000, s10, s9, $0x38;
	[tilespmem:$0x10080] =	vst v63  }
0x1a8: {  	_ =	swait.ge [sflag:s7], $0x4000  }
0x1a9: {  	[sflag:s7] =	ssyncset.done $0x0  }
0x1aa: {  	[sflag:s7] =	ssyncadd.s32 $0xFFFFC000  }
0x1ab: {  	[tilespmem:s14], [sflag:$0x4] =	stream.strided.gather [hbm4b:s5+s9], $0x4000, s10, s9, $0x38;
	[tilespmem:$0x10080] =	vst v63  }
0x1ac: {  	_ =	swait.ge [sflag:s16], $0x4000  }
0x1ad: {  	[sflag:s16] =	ssyncset.done $0x0  }
0x1ae: {  	[sflag:s16] =	ssyncadd.s32 $0xFFFFC000  }
0x1af: {  	_ =	swait.ge [sflag:s13], $0x4000  }
0x1b0: {  	[sflag:s13] =	ssyncset.done $0x0  }
0x1b1: {  	[sflag:s13] =	ssyncadd.s32 $0xFFFFC000  }
0x1b2: {  	_ =	swait.ge [sflag:s11], $0x4000  }
0x1b3: {  	[sflag:s11] =	ssyncset.done $0x0  }
0x1b4: {  	[sflag:s11] =	ssyncadd.s32 $0xFFFFC000  }
0x1b5: {  	_ =	swait.ge [sflag:s7], $0x4000  }
0x1b6: {  	[sflag:s7] =	ssyncset.done $0x0  }
0x1b7: {  	[sflag:s7] =	ssyncadd.s32 $0xFFFFC000  }
0x1b8: {  	v0 =	vld [tilespmem:$0x0];
	_ =	sdelay $0x4  }
0x1b9: {  	[tilespmem:$0x10000] =	vst v0  }
0x1ba: {  	[hbm4b:s3+s2] =	stream.linear.scatter [tilespmem:s6], [sflag:$0x5], $0x10, $0x38;
	[tilespmem:$0x10080] =	vst v63  }
0x1bb: {  	_ =	swait.ge [sflag:s4], $0x10  }
0x1bc: {  	[sflag:s4] =	ssyncset.done $0x0  }
0x1bd: {  	[sflag:s4] =	ssyncadd.s32 $0xFFFFFFF0  }
0x1be: {  	_ =	sfence.sel $0x180000  }
0x1bf: {  	[bflag:$0x0] =	sbarrier.arrive $0xFFFF  }
0x1c0: {  	_ =	strace $0x90000047  }
0x1c1: {  	s31 =	stileid.u32;
	[bflag:$0x2] =	sbarrier.arrive $0xFFFF  }
0x1c2: {  	p0 =	sne.s32 s31, $0x0;
	s0 =	rddreg [dreg:$0x2]  }
0x1c3: {  	s0 =	sadd.s32 @!p0 $0x100000, s0  }
0x1c4: {  	[sflag:s0] =	ssyncadd.tile.s32 @!p0 $0x1;
	_ =	shalt  }
.Lfunc_end2:
_tile_overlayer_lowered:
.L_overlay_start_2:
0x1c5: {  	(tag) =	ssettag $0x2  }
0x1c6: {  	s0 =	rddreg [dreg:$0x0];
	s2 =	stileid.u32  }
0x1c7: {  	s1 =	rddreg [dreg:$0x1];
	p0 =	sne.s32 s2, $0x0  }
0x1c8: {  	s3 =	rddreg [dreg:$0x2];
	[bflag:$0x3] =	sbarrier.arrive $0xFFFF;
	s2 =	simm.s32 @!p0 $0x1C05  }
0x1c9: {  	[timem:s3], [sflag:s2] =	dma.local @!p0 [hbm:s0], s1  }
0x1ca: {  	s0 =	simm.s32 @!p0 $0x5  }
0x1cb: {  	_ =	swait.ge @!p0 [sflag:s0], s1  }
0x1cc: {  	s1 =	ssub.s32 @!p0 $0x0, s1;
	[sflag:s0] =	ssyncset.done @!p0 $0x0  }
0x1cd: {  	[sflag:s0] =	ssyncadd.s32 @!p0 s1  }
0x1ce: {  	[bflag:$0x3] =	sbarrier.arrive $0xFFFF  }
0x1cf: {  	_ =	shalt  }

</sc_bundles>
